<compile_context>
chip_gen: v7x
topology: tpu7x:2x2x1
jax: 0.10.2.dev20260603
libtpu: 0.0.44.dev20260713+nightly
codegen_flags: <defaults>
</compile_context>

<pallas_src>
import jax
import jax.numpy as jnp
from jax import lax
from jax.experimental import pallas as pl
from jax.experimental.pallas import tpu as pltpu
from jax.experimental.pallas import tpu_sc as plsc

NODE_SIZE = 1000000
EMBED_DIM = 32
BATCH = 16384

NUM_CORES = 2
NUM_SUBCORES = 16
LANES = 16
NUM_WORKERS = NUM_CORES * NUM_SUBCORES
B_PER_W = BATCH // NUM_WORKERS
NUM_VECS = B_PER_W // LANES


def _rsqrt_newton(x):
  y = plsc.bitcast(
      jnp.int32(0x5F3759DF) - lax.shift_right_logical(
          plsc.bitcast(x, jnp.int32), jnp.int32(1)),
      jnp.float32)
  half_x = x * 0.5
  for _ in range(3):
    y = y * (1.5 - half_x * y * y)
  return y


def _body(node_hbm, table_hbm, out_hbm, idx_v, rows_v, out_v, sem):
  wid = lax.axis_index("s") * NUM_CORES + lax.axis_index("c")
  base = wid * B_PER_W
  pltpu.sync_copy(node_hbm.at[pl.ds(base, B_PER_W)], idx_v)

  def fire_vec(c, carry):
    vec = idx_v[pl.ds(c * LANES, LANES)]
    for j in range(LANES):
      r = lax.squeeze(lax.slice(vec, [j], [j + 1]), [0])
      pltpu.async_copy(table_hbm.at[r], rows_v.at[c * LANES + j], sem)
    return carry

  lax.fori_loop(0, NUM_VECS, fire_vec, 0)
  pltpu.make_async_copy(
      table_hbm.at[pl.ds(0, B_PER_W)], rows_v, sem).wait()

  lane_iota = lax.iota(jnp.int32, LANES)

  def norm_group(g, carry):
    sl = pl.ds(g * LANES, LANES)
    n_vec = g * LANES + lane_iota
    vals = [plsc.load_gather(rows_v, [n_vec, jnp.full((LANES,), d, jnp.int32)])
            for d in range(EMBED_DIM)]
    s = vals[0] * vals[0]
    for d in range(1, EMBED_DIM):
      s = s + vals[d] * vals[d]
    scale = _rsqrt_newton(jnp.maximum(s, 1e-24))
    for d in range(EMBED_DIM):
      out_v[d, sl] = vals[d] * scale
    return carry

  lax.fori_loop(0, NUM_VECS, norm_group, 0)
  pltpu.sync_copy(out_v, out_hbm.at[:, pl.ds(base, B_PER_W)])


@jax.jit
def _lookup_normalize(node, table):
  mesh = plsc.VectorSubcoreMesh(
      core_axis_name="c", subcore_axis_name="s",
      num_cores=NUM_CORES, num_subcores=NUM_SUBCORES)
  out_cm = pl.kernel(
      _body,
      out_type=jax.ShapeDtypeStruct((EMBED_DIM, BATCH), jnp.float32),
      mesh=mesh,
      scratch_types=[
          pltpu.VMEM((B_PER_W,), jnp.int32),
          pltpu.VMEM((B_PER_W, EMBED_DIM), jnp.float32),
          pltpu.VMEM((EMBED_DIM, B_PER_W), jnp.float32),
          pltpu.SemaphoreType.DMA,
      ],
      compiler_params=pltpu.CompilerParams(needs_layout_passes=False),
  )(node, table)
  return out_cm.T


def kernel(node, table):
  return _lookup_normalize(node.astype(jnp.int32), table)

# --- scband reference (transcript-rebuilt; emitter-appended) ---
"""Pipeline reference for scband-hierarchy-model-3496103378989 (READ-ONLY COPY).

The authoritative reference and input builder live on the scoring server;
editing this copy changes nothing except your own understanding.
"""

import jax, jax.numpy as jnp
import numpy as np

NODE_SIZE = 1000000
EMBED_DIM = 32
BATCH = 16384

def setup_inputs(seed: int = 0) -> dict:
    key = jax.random.key(seed)
    k1, k2 = jax.random.split(key)
    node = jax.random.randint(k1, (BATCH,), 0, NODE_SIZE, dtype=jnp.int64 if jax.config.jax_enable_x64 else jnp.int32)
    # nn.Embedding default init: N(0, 1)
    table = jax.random.normal(k2, (NODE_SIZE, EMBED_DIM), dtype=jnp.float32)
    return {"node": node, "table": table}

def _l2_normalize(emb, axis, eps=1e-12):
    # Faithful to F.normalize: x / max(||x||_2, eps)
    norm = jnp.sqrt(jnp.sum(emb * emb, axis=axis, keepdims=True))
    return emb / jnp.maximum(norm, eps)

def reference(node, table):
    embedding = jnp.take(table, node, axis=0)
    if embedding.ndim > 1:
        dim = 1
    else:
        dim = 0
    normalized_emb = _l2_normalize(embedding, axis=dim)
    return normalized_emb

if __name__ == "__main__":
    import jax
    _d = setup_inputs()
    print(jax.jit(kernel)(*tuple(_d.values())))

</pallas_src>

<mosaic_0001>
#map = affine_map<(d0, d1) -> (0)>
#map1 = affine_map<(d0, d1) -> (0, 0)>
module attributes {stable_mosaic.version = 14 : i64} {
  func.func @_body(%arg0: i32, %arg1: i32, %arg2: memref<16384xi32, #tpu.memory_space<hbm>>, %arg3: memref<1000000x32xf32, #tpu.memory_space<hbm>>, %arg4: memref<32x16384xf32, #tpu.memory_space<hbm>>, %arg5: memref<512xi32, #tpu.memory_space<vmem>>, %arg6: memref<512x32xf32, #tpu.memory_space<vmem>>, %arg7: memref<32x512xf32, #tpu.memory_space<vmem>>, %arg8: memref<!tpu.dma_semaphore, #tpu.memory_space<semaphore_mem>>) attributes {dimension_semantics = [#tpu.dimension_semantics<core_parallel>, #tpu.dimension_semantics<subcore_parallel>], iteration_bounds = array<i64: 2, 16>, scalar_prefetch = 0 : i64, scratch_operands = 4 : i64, tpu.core_type = #tpu.core_type<sc_vector_subcore>, window_params = [{transform_indices = #map}, {transform_indices = #map1}, {transform_indices = #map1}]} {
    %mul3A = arith.constant 2 : i32
    %mul3A_0 = arith.muli %arg1, %mul3A : i32
    %add3A = arith.addi %mul3A_0, %arg0 : i32
    %mul3A_1 = arith.constant 512 : i32
    %mul3A_2 = arith.muli %add3A, %mul3A_1 : i32
    "tpu.region"() ({
      %run_scoped3A = tpu.sem_alloc : memref<!tpu.dma_semaphore, #tpu.memory_space<semaphore_mem>>
      %dma_start3A = tpu.memref_slice %arg2[%mul3A_2] : memref<16384xi32, #tpu.memory_space<hbm>> -> memref<512xi32, #tpu.memory_space<hbm>>
      %dma_start3A_19 = tpu.memref_slice %arg2[%mul3A_2] : memref<16384xi32, #tpu.memory_space<hbm>> -> memref<512xi32, #tpu.memory_space<hbm>>
      tpu.enqueue_dma source(%dma_start3A_19 : memref<512xi32, #tpu.memory_space<hbm>>) target(%arg5 : memref<512xi32, #tpu.memory_space<vmem>>) target_semaphore(%run_scoped3A : memref<!tpu.dma_semaphore, #tpu.memory_space<semaphore_mem>>)
      %dma_wait3A_20 = tpu.memref_slice %arg2[%mul3A_2] : memref<16384xi32, #tpu.memory_space<hbm>> -> memref<512xi32, #tpu.memory_space<hbm>>
      %dma_wait3A_21 = tpu.memref_slice %arg2[%mul3A_2] : memref<16384xi32, #tpu.memory_space<hbm>> -> memref<512xi32, #tpu.memory_space<hbm>>
      tpu.wait_dma2 semaphore(%run_scoped3A : memref<!tpu.dma_semaphore, #tpu.memory_space<semaphore_mem>>) src(%dma_wait3A_21 : memref<512xi32, #tpu.memory_space<hbm>>) dst(%arg5 : memref<512xi32, #tpu.memory_space<vmem>>)
      tpu.yield
    }) : () -> ()
    %scan3A = arith.constant 0 : i32
    %scan3A_3 = arith.constant 0 : i32
    %scan3A_4 = arith.constant 32 : i32
    %scan3A_5 = arith.addi %scan3A_3, %scan3A_4 : i32
    %scan3A_6 = arith.constant 1 : i32
    scf.for %scan3A_19 = %scan3A_3 to %scan3A_5 step %scan3A_6  : i32 {
      %mul3A_20 = arith.constant 16 : i32
      %mul3A_21 = arith.muli %scan3A_19, %mul3A_20 : i32
      %get3A = arith.index_cast %mul3A_21 : i32 to index
      %get3A_22 = tpu.vector_load %arg5[%get3A] {strides = array<i32>} : memref<512xi32, #tpu.memory_space<vmem>>, vector<16xi32>,
      %slice3A = vector.extract_strided_slice %get3A_22 {offsets = [0], sizes = [1], strides = [1]} : vector<16xi32> to vector<1xi32>
      %squeeze3A = vector.extract %slice3A[0] : i32 from vector<1xi32>
      %mul3A_23 = arith.constant 16 : i32
      %mul3A_24 = arith.muli %scan3A_19, %mul3A_23 : i32
      %add3A_25 = arith.constant 0 : i32
      %add3A_26 = arith.addi %mul3A_24, %add3A_25 : i32
      %dma_start3A = arith.constant 0 : i32
      %dma_start3A_27 = tpu.memref_slice %arg6[%add3A_26, %dma_start3A] : memref<512x32xf32, #tpu.memory_space<vmem>> -> memref<1x32xf32, #tpu.memory_space<vmem>>
      %dma_start3A_28 = tpu.memref_squeeze %dma_start3A_27 : memref<1x32xf32, #tpu.memory_space<vmem>> -> memref<32xf32, #tpu.memory_space<vmem>>
      %dma_start3A_29 = arith.constant 0 : i32
      %dma_start3A_30 = tpu.memref_slice %arg3[%squeeze3A, %dma_start3A_29] : memref<1000000x32xf32, #tpu.memory_space<hbm>> -> memref<1x32xf32, #tpu.memory_space<hbm>>
      %dma_start3A_31 = tpu.memref_squeeze %dma_start3A_30 : memref<1x32xf32, #tpu.memory_space<hbm>> -> memref<32xf32, #tpu.memory_space<hbm>>
      %dma_start3A_32 = arith.constant 0 : i32
      %dma_start3A_33 = tpu.memref_slice %arg6[%add3A_26, %dma_start3A_32] : memref<512x32xf32, #tpu.memory_space<vmem>> -> memref<1x32xf32, #tpu.memory_space<vmem>>
      %dma_start3A_34 = tpu.memref_squeeze %dma_start3A_33 : memref<1x32xf32, #tpu.memory_space<vmem>> -> memref<32xf32, #tpu.memory_space<vmem>>
      %dma_start3A_35 = arith.constant 0 : i32
      %dma_start3A_36 = tpu.memref_slice %arg3[%squeeze3A, %dma_start3A_35] : memref<1000000x32xf32, #tpu.memory_space<hbm>> -> memref<1x32xf32, #tpu.memory_space<hbm>>
      %dma_start3A_37 = tpu.memref_squeeze %dma_start3A_36 : memref<1x32xf32, #tpu.memory_space<hbm>> -> memref<32xf32, #tpu.memory_space<hbm>>
      tpu.enqueue_dma source(%dma_start3A_37 : memref<32xf32, #tpu.memory_space<hbm>>) target(%dma_start3A_34 : memref<32xf32, #tpu.memory_space<vmem>>) target_semaphore(%arg8 : memref<!tpu.dma_semaphore, #tpu.memory_space<semaphore_mem>>)
      %slice3A_38 = vector.extract_strided_slice %get3A_22 {offsets = [1], sizes = [1], strides = [1]} : vector<16xi32> to vector<1xi32>
      %squeeze3A_39 = vector.extract %slice3A_38[0] : i32 from vector<1xi32>
      %mul3A_40 = arith.constant 16 : i32
      %mul3A_41 = arith.muli %scan3A_19, %mul3A_40 : i32
      %add3A_42 = arith.constant 1 : i32
      %add3A_43 = arith.addi %mul3A_41, %add3A_42 : i32
      %dma_start3A_44 = arith.constant 0 : i32
      %dma_start3A_45 = tpu.memref_slice %arg6[%add3A_43, %dma_start3A_44] : memref<512x32xf32, #tpu.memory_space<vmem>> -> memref<1x32xf32, #tpu.memory_space<vmem>>
      %dma_start3A_46 = tpu.memref_squeeze %dma_start3A_45 : memref<1x32xf32, #tpu.memory_space<vmem>> -> memref<32xf32, #tpu.memory_space<vmem>>
      %dma_start3A_47 = arith.constant 0 : i32
      %dma_start3A_48 = tpu.memref_slice %arg3[%squeeze3A_39, %dma_start3A_47] : memref<1000000x32xf32, #tpu.memory_space<hbm>> -> memref<1x32xf32, #tpu.memory_space<hbm>>
      %dma_start3A_49 = tpu.memref_squeeze %dma_start3A_48 : memref<1x32xf32, #tpu.memory_space<hbm>> -> memref<32xf32, #tpu.memory_space<hbm>>
      %dma_start3A_50 = arith.constant 0 : i32
      %dma_start3A_51 = tpu.memref_slice %arg6[%add3A_43, %dma_start3A_50] : memref<512x32xf32, #tpu.memory_space<vmem>> -> memref<1x32xf32, #tpu.memory_space<vmem>>
      %dma_start3A_52 = tpu.memref_squeeze %dma_start3A_51 : memref<1x32xf32, #tpu.memory_space<vmem>> -> memref<32xf32, #tpu.memory_space<vmem>>
      %dma_start3A_53 = arith.constant 0 : i32
      %dma_start3A_54 = tpu.memref_slice %arg3[%squeeze3A_39, %dma_start3A_53] : memref<1000000x32xf32, #tpu.memory_space<hbm>> -> memref<1x32xf32, #tpu.memory_space<hbm>>
      %dma_start3A_55 = tpu.memref_squeeze %dma_start3A_54 : memref<1x32xf32, #tpu.memory_space<hbm>> -> memref<32xf32, #tpu.memory_space<hbm>>
      tpu.enqueue_dma source(%dma_start3A_55 : memref<32xf32, #tpu.memory_space<hbm>>) target(%dma_start3A_52 : memref<32xf32, #tpu.memory_space<vmem>>) target_semaphore(%arg8 : memref<!tpu.dma_semaphore, #tpu.memory_space<semaphore_mem>>)
      %slice3A_56 = vector.extract_strided_slice %get3A_22 {offsets = [2], sizes = [1], strides = [1]} : vector<16xi32> to vector<1xi32>
      %squeeze3A_57 = vector.extract %slice3A_56[0] : i32 from vector<1xi32>
      %mul3A_58 = arith.constant 16 : i32
      %mul3A_59 = arith.muli %scan3A_19, %mul3A_58 : i32
      %add3A_60 = arith.constant 2 : i32
      %add3A_61 = arith.addi %mul3A_59, %add3A_60 : i32
      %dma_start3A_62 = arith.constant 0 : i32
      %dma_start3A_63 = tpu.memref_slice %arg6[%add3A_61, %dma_start3A_62] : memref<512x32xf32, #tpu.memory_space<vmem>> -> memref<1x32xf32, #tpu.memory_space<vmem>>
      %dma_start3A_64 = tpu.memref_squeeze %dma_start3A_63 : memref<1x32xf32, #tpu.memory_space<vmem>> -> memref<32xf32, #tpu.memory_space<vmem>>
      %dma_start3A_65 = arith.constant 0 : i32
      %dma_start3A_66 = tpu.memref_slice %arg3[%squeeze3A_57, %dma_start3A_65] : memref<1000000x32xf32, #tpu.memory_space<hbm>> -> memref<1x32xf32, #tpu.memory_space<hbm>>
      %dma_start3A_67 = tpu.memref_squeeze %dma_start3A_66 : memref<1x32xf32, #tpu.memory_space<hbm>> -> memref<32xf32, #tpu.memory_space<hbm>>
      %dma_start3A_68 = arith.constant 0 : i32
      %dma_start3A_69 = tpu.memref_slice %arg6[%add3A_61, %dma_start3A_68] : memref<512x32xf32, #tpu.memory_space<vmem>> -> memref<1x32xf32, #tpu.memory_space<vmem>>
      %dma_start3A_70 = tpu.memref_squeeze %dma_start3A_69 : memref<1x32xf32, #tpu.memory_space<vmem>> -> memref<32xf32, #tpu.memory_space<vmem>>
      %dma_start3A_71 = arith.constant 0 : i32
      %dma_start3A_72 = tpu.memref_slice %arg3[%squeeze3A_57, %dma_start3A_71] : memref<1000000x32xf32, #tpu.memory_space<hbm>> -> memref<1x32xf32, #tpu.memory_space<hbm>>
      %dma_start3A_73 = tpu.memref_squeeze %dma_start3A_72 : memref<1x32xf32, #tpu.memory_space<hbm>> -> memref<32xf32, #tpu.memory_space<hbm>>
      tpu.enqueue_dma source(%dma_start3A_73 : memref<32xf32, #tpu.memory_space<hbm>>) target(%dma_start3A_70 : memref<32xf32, #tpu.memory_space<vmem>>) target_semaphore(%arg8 : memref<!tpu.dma_semaphore, #tpu.memory_space<semaphore_mem>>)
      %slice3A_74 = vector.extract_strided_slice %get3A_22 {offsets = [3], sizes = [1], strides = [1]} : vector<16xi32> to vector<1xi32>
      %squeeze3A_75 = vector.extract %slice3A_74[0] : i32 from vector<1xi32>
      %mul3A_76 = arith.constant 16 : i32
      %mul3A_77 = arith.muli %scan3A_19, %mul3A_76 : i32
      %add3A_78 = arith.constant 3 : i32
      %add3A_79 = arith.addi %mul3A_77, %add3A_78 : i32
      %dma_start3A_80 = arith.constant 0 : i32
      %dma_start3A_81 = tpu.memref_slice %arg6[%add3A_79, %dma_start3A_80] : memref<512x32xf32, #tpu.memory_space<vmem>> -> memref<1x32xf32, #tpu.memory_space<vmem>>
      %dma_start3A_82 = tpu.memref_squeeze %dma_start3A_81 : memref<1x32xf32, #tpu.memory_space<vmem>> -> memref<32xf32, #tpu.memory_space<vmem>>
      %dma_start3A_83 = arith.constant 0 : i32
      %dma_start3A_84 = tpu.memref_slice %arg3[%squeeze3A_75, %dma_start3A_83] : memref<1000000x32xf32, #tpu.memory_space<hbm>> -> memref<1x32xf32, #tpu.memory_space<hbm>>
      %dma_start3A_85 = tpu.memref_squeeze %dma_start3A_84 : memref<1x32xf32, #tpu.memory_space<hbm>> -> memref<32xf32, #tpu.memory_space<hbm>>
      %dma_start3A_86 = arith.constant 0 : i32
      %dma_start3A_87 = tpu.memref_slice %arg6[%add3A_79, %dma_start3A_86] : memref<512x32xf32, #tpu.memory_space<vmem>> -> memref<1x32xf32, #tpu.memory_space<vmem>>
      %dma_start3A_88 = tpu.memref_squeeze %dma_start3A_87 : memref<1x32xf32, #tpu.memory_space<vmem>> -> memref<32xf32, #tpu.memory_space<vmem>>
      %dma_start3A_89 = arith.constant 0 : i32
      %dma_start3A_90 = tpu.memref_slice %arg3[%squeeze3A_75, %dma_start3A_89] : memref<1000000x32xf32, #tpu.memory_space<hbm>> -> memref<1x32xf32, #tpu.memory_space<hbm>>
      %dma_start3A_91 = tpu.memref_squeeze %dma_start3A_90 : memref<1x32xf32, #tpu.memory_space<hbm>> -> memref<32xf32, #tpu.memory_space<hbm>>
      tpu.enqueue_dma source(%dma_start3A_91 : memref<32xf32, #tpu.memory_space<hbm>>) target(%dma_start3A_88 : memref<32xf32, #tpu.memory_space<vmem>>) target_semaphore(%arg8 : memref<!tpu.dma_semaphore, #tpu.memory_space<semaphore_mem>>)
      %slice3A_92 = vector.extract_strided_slice %get3A_22 {offsets = [4], sizes = [1], strides = [1]} : vector<16xi32> to vector<1xi32>
      %squeeze3A_93 = vector.extract %slice3A_92[0] : i32 from vector<1xi32>
      %mul3A_94 = arith.constant 16 : i32
      %mul3A_95 = arith.muli %scan3A_19, %mul3A_94 : i32
      %add3A_96 = arith.constant 4 : i32
      %add3A_97 = arith.addi %mul3A_95, %add3A_96 : i32
      %dma_start3A_98 = arith.constant 0 : i32
      %dma_start3A_99 = tpu.memref_slice %arg6[%add3A_97, %dma_start3A_98] : memref<512x32xf32, #tpu.memory_space<vmem>> -> memref<1x32xf32, #tpu.memory_space<vmem>>
      %dma_start3A_100 = tpu.memref_squeeze %dma_start3A_99 : memref<1x32xf32, #tpu.memory_space<vmem>> -> memref<32xf32, #tpu.memory_space<vmem>>
      %dma_start3A_101 = arith.constant 0 : i32
      %dma_start3A_102 = tpu.memref_slice %arg3[%squeeze3A_93, %dma_start3A_101] : memref<1000000x32xf32, #tpu.memory_space<hbm>> -> memref<1x32xf32, #tpu.memory_space<hbm>>
      %dma_start3A_103 = tpu.memref_squeeze %dma_start3A_102 : memref<1x32xf32, #tpu.memory_space<hbm>> -> memref<32xf32, #tpu.memory_space<hbm>>
      %dma_start3A_104 = arith.constant 0 : i32
      %dma_start3A_105 = tpu.memref_slice %arg6[%add3A_97, %dma_start3A_104] : memref<512x32xf32, #tpu.memory_space<vmem>> -> memref<1x32xf32, #tpu.memory_space<vmem>>
      %dma_start3A_106 = tpu.memref_squeeze %dma_start3A_105 : memref<1x32xf32, #tpu.memory_space<vmem>> -> memref<32xf32, #tpu.memory_space<vmem>>
      %dma_start3A_107 = arith.constant 0 : i32
      %dma_start3A_108 = tpu.memref_slice %arg3[%squeeze3A_93, %dma_start3A_107] : memref<1000000x32xf32, #tpu.memory_space<hbm>> -> memref<1x32xf32, #tpu.memory_space<hbm>>
      %dma_start3A_109 = tpu.memref_squeeze %dma_start3A_108 : memref<1x32xf32, #tpu.memory_space<hbm>> -> memref<32xf32, #tpu.memory_space<hbm>>
      tpu.enqueue_dma source(%dma_start3A_109 : memref<32xf32, #tpu.memory_space<hbm>>) target(%dma_start3A_106 : memref<32xf32, #tpu.memory_space<vmem>>) target_semaphore(%arg8 : memref<!tpu.dma_semaphore, #tpu.memory_space<semaphore_mem>>)
      %slice3A_110 = vector.extract_strided_slice %get3A_22 {offsets = [5], sizes = [1], strides = [1]} : vector<16xi32> to vector<1xi32>
      %squeeze3A_111 = vector.extract %slice3A_110[0] : i32 from vector<1xi32>
      %mul3A_112 = arith.constant 16 : i32
      %mul3A_113 = arith.muli %scan3A_19, %mul3A_112 : i32
      %add3A_114 = arith.constant 5 : i32
      %add3A_115 = arith.addi %mul3A_113, %add3A_114 : i32
      %dma_start3A_116 = arith.constant 0 : i32
      %dma_start3A_117 = tpu.memref_slice %arg6[%add3A_115, %dma_start3A_116] : memref<512x32xf32, #tpu.memory_space<vmem>> -> memref<1x32xf32, #tpu.memory_space<vmem>>
      %dma_start3A_118 = tpu.memref_squeeze %dma_start3A_117 : memref<1x32xf32, #tpu.memory_space<vmem>> -> memref<32xf32, #tpu.memory_space<vmem>>
      %dma_start3A_119 = arith.constant 0 : i32
      %dma_start3A_120 = tpu.memref_slice %arg3[%squeeze3A_111, %dma_start3A_119] : memref<1000000x32xf32, #tpu.memory_space<hbm>> -> memref<1x32xf32, #tpu.memory_space<hbm>>
      %dma_start3A_121 = tpu.memref_squeeze %dma_start3A_120 : memref<1x32xf32, #tpu.memory_space<hbm>> -> memref<32xf32, #tpu.memory_space<hbm>>
      %dma_start3A_122 = arith.constant 0 : i32
      %dma_start3A_123 = tpu.memref_slice %arg6[%add3A_115, %dma_start3A_122] : memref<512x32xf32, #tpu.memory_space<vmem>> -> memref<1x32xf32, #tpu.memory_space<vmem>>
      %dma_start3A_124 = tpu.memref_squeeze %dma_start3A_123 : memref<1x32xf32, #tpu.memory_space<vmem>> -> memref<32xf32, #tpu.memory_space<vmem>>
      %dma_start3A_125 = arith.constant 0 : i32
      %dma_start3A_126 = tpu.memref_slice %arg3[%squeeze3A_111, %dma_start3A_125] : memref<1000000x32xf32, #tpu.memory_space<hbm>> -> memref<1x32xf32, #tpu.memory_space<hbm>>
      %dma_start3A_127 = tpu.memref_squeeze %dma_start3A_126 : memref<1x32xf32, #tpu.memory_space<hbm>> -> memref<32xf32, #tpu.memory_space<hbm>>
      tpu.enqueue_dma source(%dma_start3A_127 : memref<32xf32, #tpu.memory_space<hbm>>) target(%dma_start3A_124 : memref<32xf32, #tpu.memory_space<vmem>>) target_semaphore(%arg8 : memref<!tpu.dma_semaphore, #tpu.memory_space<semaphore_mem>>)
      %slice3A_128 = vector.extract_strided_slice %get3A_22 {offsets = [6], sizes = [1], strides = [1]} : vector<16xi32> to vector<1xi32>
      %squeeze3A_129 = vector.extract %slice3A_128[0] : i32 from vector<1xi32>
      %mul3A_130 = arith.constant 16 : i32
      %mul3A_131 = arith.muli %scan3A_19, %mul3A_130 : i32
      %add3A_132 = arith.constant 6 : i32
      %add3A_133 = arith.addi %mul3A_131, %add3A_132 : i32
      %dma_start3A_134 = arith.constant 0 : i32
      %dma_start3A_135 = tpu.memref_slice %arg6[%add3A_133, %dma_start3A_134] : memref<512x32xf32, #tpu.memory_space<vmem>> -> memref<1x32xf32, #tpu.memory_space<vmem>>
      %dma_start3A_136 = tpu.memref_squeeze %dma_start3A_135 : memref<1x32xf32, #tpu.memory_space<vmem>> -> memref<32xf32, #tpu.memory_space<vmem>>
      %dma_start3A_137 = arith.constant 0 : i32
      %dma_start3A_138 = tpu.memref_slice %arg3[%squeeze3A_129, %dma_start3A_137] : memref<1000000x32xf32, #tpu.memory_space<hbm>> -> memref<1x32xf32, #tpu.memory_space<hbm>>
      %dma_start3A_139 = tpu.memref_squeeze %dma_start3A_138 : memref<1x32xf32, #tpu.memory_space<hbm>> -> memref<32xf32, #tpu.memory_space<hbm>>
      %dma_start3A_140 = arith.constant 0 : i32
      %dma_start3A_141 = tpu.memref_slice %arg6[%add3A_133, %dma_start3A_140] : memref<512x32xf32, #tpu.memory_space<vmem>> -> memref<1x32xf32, #tpu.memory_space<vmem>>
      %dma_start3A_142 = tpu.memref_squeeze %dma_start3A_141 : memref<1x32xf32, #tpu.memory_space<vmem>> -> memref<32xf32, #tpu.memory_space<vmem>>
      %dma_start3A_143 = arith.constant 0 : i32
      %dma_start3A_144 = tpu.memref_slice %arg3[%squeeze3A_129, %dma_start3A_143] : memref<1000000x32xf32, #tpu.memory_space<hbm>> -> memref<1x32xf32, #tpu.memory_space<hbm>>
      %dma_start3A_145 = tpu.memref_squeeze %dma_start3A_144 : memref<1x32xf32, #tpu.memory_space<hbm>> -> memref<32xf32, #tpu.memory_space<hbm>>
      tpu.enqueue_dma source(%dma_start3A_145 : memref<32xf32, #tpu.memory_space<hbm>>) target(%dma_start3A_142 : memref<32xf32, #tpu.memory_space<vmem>>) target_semaphore(%arg8 : memref<!tpu.dma_semaphore, #tpu.memory_space<semaphore_mem>>)
      %slice3A_146 = vector.extract_strided_slice %get3A_22 {offsets = [7], sizes = [1], strides = [1]} : vector<16xi32> to vector<1xi32>
      %squeeze3A_147 = vector.extract %slice3A_146[0] : i32 from vector<1xi32>
      %mul3A_148 = arith.constant 16 : i32
      %mul3A_149 = arith.muli %scan3A_19, %mul3A_148 : i32
      %add3A_150 = arith.constant 7 : i32
      %add3A_151 = arith.addi %mul3A_149, %add3A_150 : i32
      %dma_start3A_152 = arith.constant 0 : i32
      %dma_start3A_153 = tpu.memref_slice %arg6[%add3A_151, %dma_start3A_152] : memref<512x32xf32, #tpu.memory_space<vmem>> -> memref<1x32xf32, #tpu.memory_space<vmem>>
      %dma_start3A_154 = tpu.memref_squeeze %dma_start3A_153 : memref<1x32xf32, #tpu.memory_space<vmem>> -> memref<32xf32, #tpu.memory_space<vmem>>
      %dma_start3A_155 = arith.constant 0 : i32
      %dma_start3A_156 = tpu.memref_slice %arg3[%squeeze3A_147, %dma_start3A_155] : memref<1000000x32xf32, #tpu.memory_space<hbm>> -> memref<1x32xf32, #tpu.memory_space<hbm>>
      %dma_start3A_157 = tpu.memref_squeeze %dma_start3A_156 : memref<1x32xf32, #tpu.memory_space<hbm>> -> memref<32xf32, #tpu.memory_space<hbm>>
      %dma_start3A_158 = arith.constant 0 : i32
      %dma_start3A_159 = tpu.memref_slice %arg6[%add3A_151, %dma_start3A_158] : memref<512x32xf32, #tpu.memory_space<vmem>> -> memref<1x32xf32, #tpu.memory_space<vmem>>
      %dma_start3A_160 = tpu.memref_squeeze %dma_start3A_159 : memref<1x32xf32, #tpu.memory_space<vmem>> -> memref<32xf32, #tpu.memory_space<vmem>>
      %dma_start3A_161 = arith.constant 0 : i32
      %dma_start3A_162 = tpu.memref_slice %arg3[%squeeze3A_147, %dma_start3A_161] : memref<1000000x32xf32, #tpu.memory_space<hbm>> -> memref<1x32xf32, #tpu.memory_space<hbm>>
      %dma_start3A_163 = tpu.memref_squeeze %dma_start3A_162 : memref<1x32xf32, #tpu.memory_space<hbm>> -> memref<32xf32, #tpu.memory_space<hbm>>
      tpu.enqueue_dma source(%dma_start3A_163 : memref<32xf32, #tpu.memory_space<hbm>>) target(%dma_start3A_160 : memref<32xf32, #tpu.memory_space<vmem>>) target_semaphore(%arg8 : memref<!tpu.dma_semaphore, #tpu.memory_space<semaphore_mem>>)
      %slice3A_164 = vector.extract_strided_slice %get3A_22 {offsets = [8], sizes = [1], strides = [1]} : vector<16xi32> to vector<1xi32>
      %squeeze3A_165 = vector.extract %slice3A_164[0] : i32 from vector<1xi32>
      %mul3A_166 = arith.constant 16 : i32
      %mul3A_167 = arith.muli %scan3A_19, %mul3A_166 : i32
      %add3A_168 = arith.constant 8 : i32
      %add3A_169 = arith.addi %mul3A_167, %add3A_168 : i32
      %dma_start3A_170 = arith.constant 0 : i32
      %dma_start3A_171 = tpu.memref_slice %arg6[%add3A_169, %dma_start3A_170] : memref<512x32xf32, #tpu.memory_space<vmem>> -> memref<1x32xf32, #tpu.memory_space<vmem>>
      %dma_start3A_172 = tpu.memref_squeeze %dma_start3A_171 : memref<1x32xf32, #tpu.memory_space<vmem>> -> memref<32xf32, #tpu.memory_space<vmem>>
      %dma_start3A_173 = arith.constant 0 : i32
      %dma_start3A_174 = tpu.memref_slice %arg3[%squeeze3A_165, %dma_start3A_173] : memref<1000000x32xf32, #tpu.memory_space<hbm>> -> memref<1x32xf32, #tpu.memory_space<hbm>>
      %dma_start3A_175 = tpu.memref_squeeze %dma_start3A_174 : memref<1x32xf32, #tpu.memory_space<hbm>> -> memref<32xf32, #tpu.memory_space<hbm>>
      %dma_start3A_176 = arith.constant 0 : i32
      %dma_start3A_177 = tpu.memref_slice %arg6[%add3A_169, %dma_start3A_176] : memref<512x32xf32, #tpu.memory_space<vmem>> -> memref<1x32xf32, #tpu.memory_space<vmem>>
      %dma_start3A_178 = tpu.memref_squeeze %dma_start3A_177 : memref<1x32xf32, #tpu.memory_space<vmem>> -> memref<32xf32, #tpu.memory_space<vmem>>
      %dma_start3A_179 = arith.constant 0 : i32
      %dma_start3A_180 = tpu.memref_slice %arg3[%squeeze3A_165, %dma_start3A_179] : memref<1000000x32xf32, #tpu.memory_space<hbm>> -> memref<1x32xf32, #tpu.memory_space<hbm>>
      %dma_start3A_181 = tpu.memref_squeeze %dma_start3A_180 : memref<1x32xf32, #tpu.memory_space<hbm>> -> memref<32xf32, #tpu.memory_space<hbm>>
      tpu.enqueue_dma source(%dma_start3A_181 : memref<32xf32, #tpu.memory_space<hbm>>) target(%dma_start3A_178 : memref<32xf32, #tpu.memory_space<vmem>>) target_semaphore(%arg8 : memref<!tpu.dma_semaphore, #tpu.memory_space<semaphore_mem>>)
      %slice3A_182 = vector.extract_strided_slice %get3A_22 {offsets = [9], sizes = [1], strides = [1]} : vector<16xi32> to vector<1xi32>
      %squeeze3A_183 = vector.extract %slice3A_182[0] : i32 from vector<1xi32>
      %mul3A_184 = arith.constant 16 : i32
      %mul3A_185 = arith.muli %scan3A_19, %mul3A_184 : i32
      %add3A_186 = arith.constant 9 : i32
      %add3A_187 = arith.addi %mul3A_185, %add3A_186 : i32
      %dma_start3A_188 = arith.constant 0 : i32
      %dma_start3A_189 = tpu.memref_slice %arg6[%add3A_187, %dma_start3A_188] : memref<512x32xf32, #tpu.memory_space<vmem>> -> memref<1x32xf32, #tpu.memory_space<vmem>>
      %dma_start3A_190 = tpu.memref_squeeze %dma_start3A_189 : memref<1x32xf32, #tpu.memory_space<vmem>> -> memref<32xf32, #tpu.memory_space<vmem>>
      %dma_start3A_191 = arith.constant 0 : i32
      %dma_start3A_192 = tpu.memref_slice %arg3[%squeeze3A_183, %dma_start3A_191] : memref<1000000x32xf32, #tpu.memory_space<hbm>> -> memref<1x32xf32, #tpu.memory_space<hbm>>
      %dma_start3A_193 = tpu.memref_squeeze %dma_start3A_192 : memref<1x32xf32, #tpu.memory_space<hbm>> -> memref<32xf32, #tpu.memory_space<hbm>>
      %dma_start3A_194 = arith.constant 0 : i32
      %dma_start3A_195 = tpu.memref_slice %arg6[%add3A_187, %dma_start3A_194] : memref<512x32xf32, #tpu.memory_space<vmem>> -> memref<1x32xf32, #tpu.memory_space<vmem>>
      %dma_start3A_196 = tpu.memref_squeeze %dma_start3A_195 : memref<1x32xf32, #tpu.memory_space<vmem>> -> memref<32xf32, #tpu.memory_space<vmem>>
      %dma_start3A_197 = arith.constant 0 : i32
      %dma_start3A_198 = tpu.memref_slice %arg3[%squeeze3A_183, %dma_start3A_197] : memref<1000000x32xf32, #tpu.memory_space<hbm>> -> memref<1x32xf32, #tpu.memory_space<hbm>>
      %dma_start3A_199 = tpu.memref_squeeze %dma_start3A_198 : memref<1x32xf32, #tpu.memory_space<hbm>> -> memref<32xf32, #tpu.memory_space<hbm>>
      tpu.enqueue_dma source(%dma_start3A_199 : memref<32xf32, #tpu.memory_space<hbm>>) target(%dma_start3A_196 : memref<32xf32, #tpu.memory_space<vmem>>) target_semaphore(%arg8 : memref<!tpu.dma_semaphore, #tpu.memory_space<semaphore_mem>>)
      %slice3A_200 = vector.extract_strided_slice %get3A_22 {offsets = [10], sizes = [1], strides = [1]} : vector<16xi32> to vector<1xi32>
      %squeeze3A_201 = vector.extract %slice3A_200[0] : i32 from vector<1xi32>
      %mul3A_202 = arith.constant 16 : i32
      %mul3A_203 = arith.muli %scan3A_19, %mul3A_202 : i32
      %add3A_204 = arith.constant 10 : i32
      %add3A_205 = arith.addi %mul3A_203, %add3A_204 : i32
      %dma_start3A_206 = arith.constant 0 : i32
      %dma_start3A_207 = tpu.memref_slice %arg6[%add3A_205, %dma_start3A_206] : memref<512x32xf32, #tpu.memory_space<vmem>> -> memref<1x32xf32, #tpu.memory_space<vmem>>
      %dma_start3A_208 = tpu.memref_squeeze %dma_start3A_207 : memref<1x32xf32, #tpu.memory_space<vmem>> -> memref<32xf32, #tpu.memory_space<vmem>>
      %dma_start3A_209 = arith.constant 0 : i32
      %dma_start3A_210 = tpu.memref_slice %arg3[%squeeze3A_201, %dma_start3A_209] : memref<1000000x32xf32, #tpu.memory_space<hbm>> -> memref<1x32xf32, #tpu.memory_space<hbm>>
      %dma_start3A_211 = tpu.memref_squeeze %dma_start3A_210 : memref<1x32xf32, #tpu.memory_space<hbm>> -> memref<32xf32, #tpu.memory_space<hbm>>
      %dma_start3A_212 = arith.constant 0 : i32
      %dma_start3A_213 = tpu.memref_slice %arg6[%add3A_205, %dma_start3A_212] : memref<512x32xf32, #tpu.memory_space<vmem>> -> memref<1x32xf32, #tpu.memory_space<vmem>>
      %dma_start3A_214 = tpu.memref_squeeze %dma_start3A_213 : memref<1x32xf32, #tpu.memory_space<vmem>> -> memref<32xf32, #tpu.memory_space<vmem>>
      %dma_start3A_215 = arith.constant 0 : i32
      %dma_start3A_216 = tpu.memref_slice %arg3[%squeeze3A_201, %dma_start3A_215] : memref<1000000x32xf32, #tpu.memory_space<hbm>> -> memref<1x32xf32, #tpu.memory_space<hbm>>
      %dma_start3A_217 = tpu.memref_squeeze %dma_start3A_216 : memref<1x32xf32, #tpu.memory_space<hbm>> -> memref<32xf32, #tpu.memory_space<hbm>>
      tpu.enqueue_dma source(%dma_start3A_217 : memref<32xf32, #tpu.memory_space<hbm>>) target(%dma_start3A_214 : memref<32xf32, #tpu.memory_space<vmem>>) target_semaphore(%arg8 : memref<!tpu.dma_semaphore, #tpu.memory_space<semaphore_mem>>)
      %slice3A_218 = vector.extract_strided_slice %get3A_22 {offsets = [11], sizes = [1], strides = [1]} : vector<16xi32> to vector<1xi32>
      %squeeze3A_219 = vector.extract %slice3A_218[0] : i32 from vector<1xi32>
      %mul3A_220 = arith.constant 16 : i32
      %mul3A_221 = arith.muli %scan3A_19, %mul3A_220 : i32
      %add3A_222 = arith.constant 11 : i32
      %add3A_223 = arith.addi %mul3A_221, %add3A_222 : i32
      %dma_start3A_224 = arith.constant 0 : i32
      %dma_start3A_225 = tpu.memref_slice %arg6[%add3A_223, %dma_start3A_224] : memref<512x32xf32, #tpu.memory_space<vmem>> -> memref<1x32xf32, #tpu.memory_space<vmem>>
      %dma_start3A_226 = tpu.memref_squeeze %dma_start3A_225 : memref<1x32xf32, #tpu.memory_space<vmem>> -> memref<32xf32, #tpu.memory_space<vmem>>
      %dma_start3A_227 = arith.constant 0 : i32
      %dma_start3A_228 = tpu.memref_slice %arg3[%squeeze3A_219, %dma_start3A_227] : memref<1000000x32xf32, #tpu.memory_space<hbm>> -> memref<1x32xf32, #tpu.memory_space<hbm>>
      %dma_start3A_229 = tpu.memref_squeeze %dma_start3A_228 : memref<1x32xf32, #tpu.memory_space<hbm>> -> memref<32xf32, #tpu.memory_space<hbm>>
      %dma_start3A_230 = arith.constant 0 : i32
      %dma_start3A_231 = tpu.memref_slice %arg6[%add3A_223, %dma_start3A_230] : memref<512x32xf32, #tpu.memory_space<vmem>> -> memref<1x32xf32, #tpu.memory_space<vmem>>
      %dma_start3A_232 = tpu.memref_squeeze %dma_start3A_231 : memref<1x32xf32, #tpu.memory_space<vmem>> -> memref<32xf32, #tpu.memory_space<vmem>>
      %dma_start3A_233 = arith.constant 0 : i32
      %dma_start3A_234 = tpu.memref_slice %arg3[%squeeze3A_219, %dma_start3A_233] : memref<1000000x32xf32, #tpu.memory_space<hbm>> -> memref<1x32xf32, #tpu.memory_space<hbm>>
      %dma_start3A_235 = tpu.memref_squeeze %dma_start3A_234 : memref<1x32xf32, #tpu.memory_space<hbm>> -> memref<32xf32, #tpu.memory_space<hbm>>
      tpu.enqueue_dma source(%dma_start3A_235 : memref<32xf32, #tpu.memory_space<hbm>>) target(%dma_start3A_232 : memref<32xf32, #tpu.memory_space<vmem>>) target_semaphore(%arg8 : memref<!tpu.dma_semaphore, #tpu.memory_space<semaphore_mem>>)
      %slice3A_236 = vector.extract_strided_slice %get3A_22 {offsets = [12], sizes = [1], strides = [1]} : vector<16xi32> to vector<1xi32>
      %squeeze3A_237 = vector.extract %slice3A_236[0] : i32 from vector<1xi32>
      %mul3A_238 = arith.constant 16 : i32
      %mul3A_239 = arith.muli %scan3A_19, %mul3A_238 : i32
      %add3A_240 = arith.constant 12 : i32
      %add3A_241 = arith.addi %mul3A_239, %add3A_240 : i32
      %dma_start3A_242 = arith.constant 0 : i32
      %dma_start3A_243 = tpu.memref_slice %arg6[%add3A_241, %dma_start3A_242] : memref<512x32xf32, #tpu.memory_space<vmem>> -> memref<1x32xf32, #tpu.memory_space<vmem>>
      %dma_start3A_244 = tpu.memref_squeeze %dma_start3A_243 : memref<1x32xf32, #tpu.memory_space<vmem>> -> memref<32xf32, #tpu.memory_space<vmem>>
      %dma_start3A_245 = arith.constant 0 : i32
      %dma_start3A_246 = tpu.memref_slice %arg3[%squeeze3A_237, %dma_start3A_245] : memref<1000000x32xf32, #tpu.memory_space<hbm>> -> memref<1x32xf32, #tpu.memory_space<hbm>>
      %dma_start3A_247 = tpu.memref_squeeze %dma_start3A_246 : memref<1x32xf32, #tpu.memory_space<hbm>> -> memref<32xf32, #tpu.memory_space<hbm>>
      %dma_start3A_248 = arith.constant 0 : i32
      %dma_start3A_249 = tpu.memref_slice %arg6[%add3A_241, %dma_start3A_248] : memref<512x32xf32, #tpu.memory_space<vmem>> -> memref<1x32xf32, #tpu.memory_space<vmem>>
      %dma_start3A_250 = tpu.memref_squeeze %dma_start3A_249 : memref<1x32xf32, #tpu.memory_space<vmem>> -> memref<32xf32, #tpu.memory_space<vmem>>
      %dma_start3A_251 = arith.constant 0 : i32
      %dma_start3A_252 = tpu.memref_slice %arg3[%squeeze3A_237, %dma_start3A_251] : memref<1000000x32xf32, #tpu.memory_space<hbm>> -> memref<1x32xf32, #tpu.memory_space<hbm>>
      %dma_start3A_253 = tpu.memref_squeeze %dma_start3A_252 : memref<1x32xf32, #tpu.memory_space<hbm>> -> memref<32xf32, #tpu.memory_space<hbm>>
      tpu.enqueue_dma source(%dma_start3A_253 : memref<32xf32, #tpu.memory_space<hbm>>) target(%dma_start3A_250 : memref<32xf32, #tpu.memory_space<vmem>>) target_semaphore(%arg8 : memref<!tpu.dma_semaphore, #tpu.memory_space<semaphore_mem>>)
      %slice3A_254 = vector.extract_strided_slice %get3A_22 {offsets = [13], sizes = [1], strides = [1]} : vector<16xi32> to vector<1xi32>
      %squeeze3A_255 = vector.extract %slice3A_254[0] : i32 from vector<1xi32>
      %mul3A_256 = arith.constant 16 : i32
      %mul3A_257 = arith.muli %scan3A_19, %mul3A_256 : i32
      %add3A_258 = arith.constant 13 : i32
      %add3A_259 = arith.addi %mul3A_257, %add3A_258 : i32
      %dma_start3A_260 = arith.constant 0 : i32
      %dma_start3A_261 = tpu.memref_slice %arg6[%add3A_259, %dma_start3A_260] : memref<512x32xf32, #tpu.memory_space<vmem>> -> memref<1x32xf32, #tpu.memory_space<vmem>>
      %dma_start3A_262 = tpu.memref_squeeze %dma_start3A_261 : memref<1x32xf32, #tpu.memory_space<vmem>> -> memref<32xf32, #tpu.memory_space<vmem>>
      %dma_start3A_263 = arith.constant 0 : i32
      %dma_start3A_264 = tpu.memref_slice %arg3[%squeeze3A_255, %dma_start3A_263] : memref<1000000x32xf32, #tpu.memory_space<hbm>> -> memref<1x32xf32, #tpu.memory_space<hbm>>
      %dma_start3A_265 = tpu.memref_squeeze %dma_start3A_264 : memref<1x32xf32, #tpu.memory_space<hbm>> -> memref<32xf32, #tpu.memory_space<hbm>>
      %dma_start3A_266 = arith.constant 0 : i32
      %dma_start3A_267 = tpu.memref_slice %arg6[%add3A_259, %dma_start3A_266] : memref<512x32xf32, #tpu.memory_space<vmem>> -> memref<1x32xf32, #tpu.memory_space<vmem>>
      %dma_start3A_268 = tpu.memref_squeeze %dma_start3A_267 : memref<1x32xf32, #tpu.memory_space<vmem>> -> memref<32xf32, #tpu.memory_space<vmem>>
      %dma_start3A_269 = arith.constant 0 : i32
      %dma_start3A_270 = tpu.memref_slice %arg3[%squeeze3A_255, %dma_start3A_269] : memref<1000000x32xf32, #tpu.memory_space<hbm>> -> memref<1x32xf32, #tpu.memory_space<hbm>>
      %dma_start3A_271 = tpu.memref_squeeze %dma_start3A_270 : memref<1x32xf32, #tpu.memory_space<hbm>> -> memref<32xf32, #tpu.memory_space<hbm>>
      tpu.enqueue_dma source(%dma_start3A_271 : memref<32xf32, #tpu.memory_space<hbm>>) target(%dma_start3A_268 : memref<32xf32, #tpu.memory_space<vmem>>) target_semaphore(%arg8 : memref<!tpu.dma_semaphore, #tpu.memory_space<semaphore_mem>>)
      %slice3A_272 = vector.extract_strided_slice %get3A_22 {offsets = [14], sizes = [1], strides = [1]} : vector<16xi32> to vector<1xi32>
      %squeeze3A_273 = vector.extract %slice3A_272[0] : i32 from vector<1xi32>
      %mul3A_274 = arith.constant 16 : i32
      %mul3A_275 = arith.muli %scan3A_19, %mul3A_274 : i32
      %add3A_276 = arith.constant 14 : i32
      %add3A_277 = arith.addi %mul3A_275, %add3A_276 : i32
      %dma_start3A_278 = arith.constant 0 : i32
      %dma_start3A_279 = tpu.memref_slice %arg6[%add3A_277, %dma_start3A_278] : memref<512x32xf32, #tpu.memory_space<vmem>> -> memref<1x32xf32, #tpu.memory_space<vmem>>
      %dma_start3A_280 = tpu.memref_squeeze %dma_start3A_279 : memref<1x32xf32, #tpu.memory_space<vmem>> -> memref<32xf32, #tpu.memory_space<vmem>>
      %dma_start3A_281 = arith.constant 0 : i32
      %dma_start3A_282 = tpu.memref_slice %arg3[%squeeze3A_273, %dma_start3A_281] : memref<1000000x32xf32, #tpu.memory_space<hbm>> -> memref<1x32xf32, #tpu.memory_space<hbm>>
      %dma_start3A_283 = tpu.memref_squeeze %dma_start3A_282 : memref<1x32xf32, #tpu.memory_space<hbm>> -> memref<32xf32, #tpu.memory_space<hbm>>
      %dma_start3A_284 = arith.constant 0 : i32
      %dma_start3A_285 = tpu.memref_slice %arg6[%add3A_277, %dma_start3A_284] : memref<512x32xf32, #tpu.memory_space<vmem>> -> memref<1x32xf32, #tpu.memory_space<vmem>>
      %dma_start3A_286 = tpu.memref_squeeze %dma_start3A_285 : memref<1x32xf32, #tpu.memory_space<vmem>> -> memref<32xf32, #tpu.memory_space<vmem>>
      %dma_start3A_287 = arith.constant 0 : i32
      %dma_start3A_288 = tpu.memref_slice %arg3[%squeeze3A_273, %dma_start3A_287] : memref<1000000x32xf32, #tpu.memory_space<hbm>> -> memref<1x32xf32, #tpu.memory_space<hbm>>
      %dma_start3A_289 = tpu.memref_squeeze %dma_start3A_288 : memref<1x32xf32, #tpu.memory_space<hbm>> -> memref<32xf32, #tpu.memory_space<hbm>>
      tpu.enqueue_dma source(%dma_start3A_289 : memref<32xf32, #tpu.memory_space<hbm>>) target(%dma_start3A_286 : memref<32xf32, #tpu.memory_space<vmem>>) target_semaphore(%arg8 : memref<!tpu.dma_semaphore, #tpu.memory_space<semaphore_mem>>)
      %slice3A_290 = vector.extract_strided_slice %get3A_22 {offsets = [15], sizes = [1], strides = [1]} : vector<16xi32> to vector<1xi32>
      %squeeze3A_291 = vector.extract %slice3A_290[0] : i32 from vector<1xi32>
      %mul3A_292 = arith.constant 16 : i32
      %mul3A_293 = arith.muli %scan3A_19, %mul3A_292 : i32
      %add3A_294 = arith.constant 15 : i32
      %add3A_295 = arith.addi %mul3A_293, %add3A_294 : i32
      %dma_start3A_296 = arith.constant 0 : i32
      %dma_start3A_297 = tpu.memref_slice %arg6[%add3A_295, %dma_start3A_296] : memref<512x32xf32, #tpu.memory_space<vmem>> -> memref<1x32xf32, #tpu.memory_space<vmem>>
      %dma_start3A_298 = tpu.memref_squeeze %dma_start3A_297 : memref<1x32xf32, #tpu.memory_space<vmem>> -> memref<32xf32, #tpu.memory_space<vmem>>
      %dma_start3A_299 = arith.constant 0 : i32
      %dma_start3A_300 = tpu.memref_slice %arg3[%squeeze3A_291, %dma_start3A_299] : memref<1000000x32xf32, #tpu.memory_space<hbm>> -> memref<1x32xf32, #tpu.memory_space<hbm>>
      %dma_start3A_301 = tpu.memref_squeeze %dma_start3A_300 : memref<1x32xf32, #tpu.memory_space<hbm>> -> memref<32xf32, #tpu.memory_space<hbm>>
      %dma_start3A_302 = arith.constant 0 : i32
      %dma_start3A_303 = tpu.memref_slice %arg6[%add3A_295, %dma_start3A_302] : memref<512x32xf32, #tpu.memory_space<vmem>> -> memref<1x32xf32, #tpu.memory_space<vmem>>
      %dma_start3A_304 = tpu.memref_squeeze %dma_start3A_303 : memref<1x32xf32, #tpu.memory_space<vmem>> -> memref<32xf32, #tpu.memory_space<vmem>>
      %dma_start3A_305 = arith.constant 0 : i32
      %dma_start3A_306 = tpu.memref_slice %arg3[%squeeze3A_291, %dma_start3A_305] : memref<1000000x32xf32, #tpu.memory_space<hbm>> -> memref<1x32xf32, #tpu.memory_space<hbm>>
      %dma_start3A_307 = tpu.memref_squeeze %dma_start3A_306 : memref<1x32xf32, #tpu.memory_space<hbm>> -> memref<32xf32, #tpu.memory_space<hbm>>
      tpu.enqueue_dma source(%dma_start3A_307 : memref<32xf32, #tpu.memory_space<hbm>>) target(%dma_start3A_304 : memref<32xf32, #tpu.memory_space<vmem>>) target_semaphore(%arg8 : memref<!tpu.dma_semaphore, #tpu.memory_space<semaphore_mem>>)
    }
    %scan3A_7 = arith.constant 32 : i32
    %dma_wait3A = arith.constant 0 : i32
    %dma_wait3A_8 = arith.constant 0 : i32
    %dma_wait3A_9 = tpu.memref_slice %arg3[%dma_wait3A, %dma_wait3A_8] : memref<1000000x32xf32, #tpu.memory_space<hbm>> -> memref<512x32xf32, #tpu.memory_space<hbm>>
    %dma_wait3A_10 = arith.constant 0 : i32
    %dma_wait3A_11 = arith.constant 0 : i32
    %dma_wait3A_12 = tpu.memref_slice %arg3[%dma_wait3A_10, %dma_wait3A_11] : memref<1000000x32xf32, #tpu.memory_space<hbm>> -> memref<512x32xf32, #tpu.memory_space<hbm>>
    tpu.wait_dma2 semaphore(%arg8 : memref<!tpu.dma_semaphore, #tpu.memory_space<semaphore_mem>>) src(%dma_wait3A_12 : memref<512x32xf32, #tpu.memory_space<hbm>>) dst(%arg6 : memref<512x32xf32, #tpu.memory_space<vmem>>)
    %iota3A = tpu.iota {dimensions = array<i32: 0>} : vector<16xi32>
    %scan3A_13 = arith.constant 0 : i32
    %scan3A_14 = arith.constant 0 : i32
    %scan3A_15 = arith.constant 32 : i32
    %scan3A_16 = arith.addi %scan3A_14, %scan3A_15 : i32
    %scan3A_17 = arith.constant 1 : i32
    scf.for %scan3A_19 = %scan3A_14 to %scan3A_16 step %scan3A_17  : i32 {
      %mul3A_20 = arith.constant 16 : i32
      %mul3A_21 = arith.muli %scan3A_19, %mul3A_20 : i32
      %mul3A_22 = arith.constant 16 : i32
      %mul3A_23 = arith.muli %scan3A_19, %mul3A_22 : i32
      %add3A_24 = vector.broadcast %mul3A_23 : i32 to vector<16xi32>
      %add3A_25 = arith.addi %add3A_24, %iota3A : vector<16xi32>
      %broadcast_in_dim3A = arith.constant 0 : i32
      %broadcast_in_dim3A_26 = vector.broadcast %broadcast_in_dim3A : i32 to vector<16xi32>
      %gather3A = tpu.vector_load_idx %arg6[%add3A_25, %broadcast_in_dim3A_26] : memref<512x32xf32, #tpu.memory_space<vmem>>[vector<16xi32>, vector<16xi32>], vector<16xf32>,
      %broadcast_in_dim3A_27 = arith.constant 1 : i32
      %broadcast_in_dim3A_28 = vector.broadcast %broadcast_in_dim3A_27 : i32 to vector<16xi32>
      %gather3A_29 = tpu.vector_load_idx %arg6[%add3A_25, %broadcast_in_dim3A_28] : memref<512x32xf32, #tpu.memory_space<vmem>>[vector<16xi32>, vector<16xi32>], vector<16xf32>,
      %broadcast_in_dim3A_30 = arith.constant 2 : i32
      %broadcast_in_dim3A_31 = vector.broadcast %broadcast_in_dim3A_30 : i32 to vector<16xi32>
      %gather3A_32 = tpu.vector_load_idx %arg6[%add3A_25, %broadcast_in_dim3A_31] : memref<512x32xf32, #tpu.memory_space<vmem>>[vector<16xi32>, vector<16xi32>], vector<16xf32>,
      %broadcast_in_dim3A_33 = arith.constant 3 : i32
      %broadcast_in_dim3A_34 = vector.broadcast %broadcast_in_dim3A_33 : i32 to vector<16xi32>
      %gather3A_35 = tpu.vector_load_idx %arg6[%add3A_25, %broadcast_in_dim3A_34] : memref<512x32xf32, #tpu.memory_space<vmem>>[vector<16xi32>, vector<16xi32>], vector<16xf32>,
      %broadcast_in_dim3A_36 = arith.constant 4 : i32
      %broadcast_in_dim3A_37 = vector.broadcast %broadcast_in_dim3A_36 : i32 to vector<16xi32>
      %gather3A_38 = tpu.vector_load_idx %arg6[%add3A_25, %broadcast_in_dim3A_37] : memref<512x32xf32, #tpu.memory_space<vmem>>[vector<16xi32>, vector<16xi32>], vector<16xf32>,
      %broadcast_in_dim3A_39 = arith.constant 5 : i32
      %broadcast_in_dim3A_40 = vector.broadcast %broadcast_in_dim3A_39 : i32 to vector<16xi32>
      %gather3A_41 = tpu.vector_load_idx %arg6[%add3A_25, %broadcast_in_dim3A_40] : memref<512x32xf32, #tpu.memory_space<vmem>>[vector<16xi32>, vector<16xi32>], vector<16xf32>,
      %broadcast_in_dim3A_42 = arith.constant 6 : i32
      %broadcast_in_dim3A_43 = vector.broadcast %broadcast_in_dim3A_42 : i32 to vector<16xi32>
      %gather3A_44 = tpu.vector_load_idx %arg6[%add3A_25, %broadcast_in_dim3A_43] : memref<512x32xf32, #tpu.memory_space<vmem>>[vector<16xi32>, vector<16xi32>], vector<16xf32>,
      %broadcast_in_dim3A_45 = arith.constant 7 : i32
      %broadcast_in_dim3A_46 = vector.broadcast %broadcast_in_dim3A_45 : i32 to vector<16xi32>
      %gather3A_47 = tpu.vector_load_idx %arg6[%add3A_25, %broadcast_in_dim3A_46] : memref<512x32xf32, #tpu.memory_space<vmem>>[vector<16xi32>, vector<16xi32>], vector<16xf32>,
      %broadcast_in_dim3A_48 = arith.constant 8 : i32
      %broadcast_in_dim3A_49 = vector.broadcast %broadcast_in_dim3A_48 : i32 to vector<16xi32>
      %gather3A_50 = tpu.vector_load_idx %arg6[%add3A_25, %broadcast_in_dim3A_49] : memref<512x32xf32, #tpu.memory_space<vmem>>[vector<16xi32>, vector<16xi32>], vector<16xf32>,
      %broadcast_in_dim3A_51 = arith.constant 9 : i32
      %broadcast_in_dim3A_52 = vector.broadcast %broadcast_in_dim3A_51 : i32 to vector<16xi32>
      %gather3A_53 = tpu.vector_load_idx %arg6[%add3A_25, %broadcast_in_dim3A_52] : memref<512x32xf32, #tpu.memory_space<vmem>>[vector<16xi32>, vector<16xi32>], vector<16xf32>,
      %broadcast_in_dim3A_54 = arith.constant 10 : i32
      %broadcast_in_dim3A_55 = vector.broadcast %broadcast_in_dim3A_54 : i32 to vector<16xi32>
      %gather3A_56 = tpu.vector_load_idx %arg6[%add3A_25, %broadcast_in_dim3A_55] : memref<512x32xf32, #tpu.memory_space<vmem>>[vector<16xi32>, vector<16xi32>], vector<16xf32>,
      %broadcast_in_dim3A_57 = arith.constant 11 : i32
      %broadcast_in_dim3A_58 = vector.broadcast %broadcast_in_dim3A_57 : i32 to vector<16xi32>
      %gather3A_59 = tpu.vector_load_idx %arg6[%add3A_25, %broadcast_in_dim3A_58] : memref<512x32xf32, #tpu.memory_space<vmem>>[vector<16xi32>, vector<16xi32>], vector<16xf32>,
      %broadcast_in_dim3A_60 = arith.constant 12 : i32
      %broadcast_in_dim3A_61 = vector.broadcast %broadcast_in_dim3A_60 : i32 to vector<16xi32>
      %gather3A_62 = tpu.vector_load_idx %arg6[%add3A_25, %broadcast_in_dim3A_61] : memref<512x32xf32, #tpu.memory_space<vmem>>[vector<16xi32>, vector<16xi32>], vector<16xf32>,
      %broadcast_in_dim3A_63 = arith.constant 13 : i32
      %broadcast_in_dim3A_64 = vector.broadcast %broadcast_in_dim3A_63 : i32 to vector<16xi32>
      %gather3A_65 = tpu.vector_load_idx %arg6[%add3A_25, %broadcast_in_dim3A_64] : memref<512x32xf32, #tpu.memory_space<vmem>>[vector<16xi32>, vector<16xi32>], vector<16xf32>,
      %broadcast_in_dim3A_66 = arith.constant 14 : i32
      %broadcast_in_dim3A_67 = vector.broadcast %broadcast_in_dim3A_66 : i32 to vector<16xi32>
      %gather3A_68 = tpu.vector_load_idx %arg6[%add3A_25, %broadcast_in_dim3A_67] : memref<512x32xf32, #tpu.memory_space<vmem>>[vector<16xi32>, vector<16xi32>], vector<16xf32>,
      %broadcast_in_dim3A_69 = arith.constant 15 : i32
      %broadcast_in_dim3A_70 = vector.broadcast %broadcast_in_dim3A_69 : i32 to vector<16xi32>
      %gather3A_71 = tpu.vector_load_idx %arg6[%add3A_25, %broadcast_in_dim3A_70] : memref<512x32xf32, #tpu.memory_space<vmem>>[vector<16xi32>, vector<16xi32>], vector<16xf32>,
      %broadcast_in_dim3A_72 = arith.constant 16 : i32
      %broadcast_in_dim3A_73 = vector.broadcast %broadcast_in_dim3A_72 : i32 to vector<16xi32>
      %gather3A_74 = tpu.vector_load_idx %arg6[%add3A_25, %broadcast_in_dim3A_73] : memref<512x32xf32, #tpu.memory_space<vmem>>[vector<16xi32>, vector<16xi32>], vector<16xf32>,
      %broadcast_in_dim3A_75 = arith.constant 17 : i32
      %broadcast_in_dim3A_76 = vector.broadcast %broadcast_in_dim3A_75 : i32 to vector<16xi32>
      %gather3A_77 = tpu.vector_load_idx %arg6[%add3A_25, %broadcast_in_dim3A_76] : memref<512x32xf32, #tpu.memory_space<vmem>>[vector<16xi32>, vector<16xi32>], vector<16xf32>,
      %broadcast_in_dim3A_78 = arith.constant 18 : i32
      %broadcast_in_dim3A_79 = vector.broadcast %broadcast_in_dim3A_78 : i32 to vector<16xi32>
      %gather3A_80 = tpu.vector_load_idx %arg6[%add3A_25, %broadcast_in_dim3A_79] : memref<512x32xf32, #tpu.memory_space<vmem>>[vector<16xi32>, vector<16xi32>], vector<16xf32>,
      %broadcast_in_dim3A_81 = arith.constant 19 : i32
      %broadcast_in_dim3A_82 = vector.broadcast %broadcast_in_dim3A_81 : i32 to vector<16xi32>
      %gather3A_83 = tpu.vector_load_idx %arg6[%add3A_25, %broadcast_in_dim3A_82] : memref<512x32xf32, #tpu.memory_space<vmem>>[vector<16xi32>, vector<16xi32>], vector<16xf32>,
      %broadcast_in_dim3A_84 = arith.constant 20 : i32
      %broadcast_in_dim3A_85 = vector.broadcast %broadcast_in_dim3A_84 : i32 to vector<16xi32>
      %gather3A_86 = tpu.vector_load_idx %arg6[%add3A_25, %broadcast_in_dim3A_85] : memref<512x32xf32, #tpu.memory_space<vmem>>[vector<16xi32>, vector<16xi32>], vector<16xf32>,
      %broadcast_in_dim3A_87 = arith.constant 21 : i32
      %broadcast_in_dim3A_88 = vector.broadcast %broadcast_in_dim3A_87 : i32 to vector<16xi32>
      %gather3A_89 = tpu.vector_load_idx %arg6[%add3A_25, %broadcast_in_dim3A_88] : memref<512x32xf32, #tpu.memory_space<vmem>>[vector<16xi32>, vector<16xi32>], vector<16xf32>,
      %broadcast_in_dim3A_90 = arith.constant 22 : i32
      %broadcast_in_dim3A_91 = vector.broadcast %broadcast_in_dim3A_90 : i32 to vector<16xi32>
      %gather3A_92 = tpu.vector_load_idx %arg6[%add3A_25, %broadcast_in_dim3A_91] : memref<512x32xf32, #tpu.memory_space<vmem>>[vector<16xi32>, vector<16xi32>], vector<16xf32>,
      %broadcast_in_dim3A_93 = arith.constant 23 : i32
      %broadcast_in_dim3A_94 = vector.broadcast %broadcast_in_dim3A_93 : i32 to vector<16xi32>
      %gather3A_95 = tpu.vector_load_idx %arg6[%add3A_25, %broadcast_in_dim3A_94] : memref<512x32xf32, #tpu.memory_space<vmem>>[vector<16xi32>, vector<16xi32>], vector<16xf32>,
      %broadcast_in_dim3A_96 = arith.constant 24 : i32
      %broadcast_in_dim3A_97 = vector.broadcast %broadcast_in_dim3A_96 : i32 to vector<16xi32>
      %gather3A_98 = tpu.vector_load_idx %arg6[%add3A_25, %broadcast_in_dim3A_97] : memref<512x32xf32, #tpu.memory_space<vmem>>[vector<16xi32>, vector<16xi32>], vector<16xf32>,
      %broadcast_in_dim3A_99 = arith.constant 25 : i32
      %broadcast_in_dim3A_100 = vector.broadcast %broadcast_in_dim3A_99 : i32 to vector<16xi32>
      %gather3A_101 = tpu.vector_load_idx %arg6[%add3A_25, %broadcast_in_dim3A_100] : memref<512x32xf32, #tpu.memory_space<vmem>>[vector<16xi32>, vector<16xi32>], vector<16xf32>,
      %broadcast_in_dim3A_102 = arith.constant 26 : i32
      %broadcast_in_dim3A_103 = vector.broadcast %broadcast_in_dim3A_102 : i32 to vector<16xi32>
      %gather3A_104 = tpu.vector_load_idx %arg6[%add3A_25, %broadcast_in_dim3A_103] : memref<512x32xf32, #tpu.memory_space<vmem>>[vector<16xi32>, vector<16xi32>], vector<16xf32>,
      %broadcast_in_dim3A_105 = arith.constant 27 : i32
      %broadcast_in_dim3A_106 = vector.broadcast %broadcast_in_dim3A_105 : i32 to vector<16xi32>
      %gather3A_107 = tpu.vector_load_idx %arg6[%add3A_25, %broadcast_in_dim3A_106] : memref<512x32xf32, #tpu.memory_space<vmem>>[vector<16xi32>, vector<16xi32>], vector<16xf32>,
      %broadcast_in_dim3A_108 = arith.constant 28 : i32
      %broadcast_in_dim3A_109 = vector.broadcast %broadcast_in_dim3A_108 : i32 to vector<16xi32>
      %gather3A_110 = tpu.vector_load_idx %arg6[%add3A_25, %broadcast_in_dim3A_109] : memref<512x32xf32, #tpu.memory_space<vmem>>[vector<16xi32>, vector<16xi32>], vector<16xf32>,
      %broadcast_in_dim3A_111 = arith.constant 29 : i32
      %broadcast_in_dim3A_112 = vector.broadcast %broadcast_in_dim3A_111 : i32 to vector<16xi32>
      %gather3A_113 = tpu.vector_load_idx %arg6[%add3A_25, %broadcast_in_dim3A_112] : memref<512x32xf32, #tpu.memory_space<vmem>>[vector<16xi32>, vector<16xi32>], vector<16xf32>,
      %broadcast_in_dim3A_114 = arith.constant 30 : i32
      %broadcast_in_dim3A_115 = vector.broadcast %broadcast_in_dim3A_114 : i32 to vector<16xi32>
      %gather3A_116 = tpu.vector_load_idx %arg6[%add3A_25, %broadcast_in_dim3A_115] : memref<512x32xf32, #tpu.memory_space<vmem>>[vector<16xi32>, vector<16xi32>], vector<16xf32>,
      %broadcast_in_dim3A_117 = arith.constant 31 : i32
      %broadcast_in_dim3A_118 = vector.broadcast %broadcast_in_dim3A_117 : i32 to vector<16xi32>
      %gather3A_119 = tpu.vector_load_idx %arg6[%add3A_25, %broadcast_in_dim3A_118] : memref<512x32xf32, #tpu.memory_space<vmem>>[vector<16xi32>, vector<16xi32>], vector<16xf32>,
      %mul3A_120 = arith.mulf %gather3A, %gather3A : vector<16xf32>
      %mul3A_121 = arith.mulf %gather3A_29, %gather3A_29 : vector<16xf32>
      %add3A_122 = arith.addf %mul3A_120, %mul3A_121 : vector<16xf32>
      %mul3A_123 = arith.mulf %gather3A_32, %gather3A_32 : vector<16xf32>
      %add3A_124 = arith.addf %add3A_122, %mul3A_123 : vector<16xf32>
      %mul3A_125 = arith.mulf %gather3A_35, %gather3A_35 : vector<16xf32>
      %add3A_126 = arith.addf %add3A_124, %mul3A_125 : vector<16xf32>
      %mul3A_127 = arith.mulf %gather3A_38, %gather3A_38 : vector<16xf32>
      %add3A_128 = arith.addf %add3A_126, %mul3A_127 : vector<16xf32>
      %mul3A_129 = arith.mulf %gather3A_41, %gather3A_41 : vector<16xf32>
      %add3A_130 = arith.addf %add3A_128, %mul3A_129 : vector<16xf32>
      %mul3A_131 = arith.mulf %gather3A_44, %gather3A_44 : vector<16xf32>
      %add3A_132 = arith.addf %add3A_130, %mul3A_131 : vector<16xf32>
      %mul3A_133 = arith.mulf %gather3A_47, %gather3A_47 : vector<16xf32>
      %add3A_134 = arith.addf %add3A_132, %mul3A_133 : vector<16xf32>
      %mul3A_135 = arith.mulf %gather3A_50, %gather3A_50 : vector<16xf32>
      %add3A_136 = arith.addf %add3A_134, %mul3A_135 : vector<16xf32>
      %mul3A_137 = arith.mulf %gather3A_53, %gather3A_53 : vector<16xf32>
      %add3A_138 = arith.addf %add3A_136, %mul3A_137 : vector<16xf32>
      %mul3A_139 = arith.mulf %gather3A_56, %gather3A_56 : vector<16xf32>
      %add3A_140 = arith.addf %add3A_138, %mul3A_139 : vector<16xf32>
      %mul3A_141 = arith.mulf %gather3A_59, %gather3A_59 : vector<16xf32>
      %add3A_142 = arith.addf %add3A_140, %mul3A_141 : vector<16xf32>
      %mul3A_143 = arith.mulf %gather3A_62, %gather3A_62 : vector<16xf32>
      %add3A_144 = arith.addf %add3A_142, %mul3A_143 : vector<16xf32>
      %mul3A_145 = arith.mulf %gather3A_65, %gather3A_65 : vector<16xf32>
      %add3A_146 = arith.addf %add3A_144, %mul3A_145 : vector<16xf32>
      %mul3A_147 = arith.mulf %gather3A_68, %gather3A_68 : vector<16xf32>
      %add3A_148 = arith.addf %add3A_146, %mul3A_147 : vector<16xf32>
      %mul3A_149 = arith.mulf %gather3A_71, %gather3A_71 : vector<16xf32>
      %add3A_150 = arith.addf %add3A_148, %mul3A_149 : vector<16xf32>
      %mul3A_151 = arith.mulf %gather3A_74, %gather3A_74 : vector<16xf32>
      %add3A_152 = arith.addf %add3A_150, %mul3A_151 : vector<16xf32>
      %mul3A_153 = arith.mulf %gather3A_77, %gather3A_77 : vector<16xf32>
      %add3A_154 = arith.addf %add3A_152, %mul3A_153 : vector<16xf32>
      %mul3A_155 = arith.mulf %gather3A_80, %gather3A_80 : vector<16xf32>
      %add3A_156 = arith.addf %add3A_154, %mul3A_155 : vector<16xf32>
      %mul3A_157 = arith.mulf %gather3A_83, %gather3A_83 : vector<16xf32>
      %add3A_158 = arith.addf %add3A_156, %mul3A_157 : vector<16xf32>
      %mul3A_159 = arith.mulf %gather3A_86, %gather3A_86 : vector<16xf32>
      %add3A_160 = arith.addf %add3A_158, %mul3A_159 : vector<16xf32>
      %mul3A_161 = arith.mulf %gather3A_89, %gather3A_89 : vector<16xf32>
      %add3A_162 = arith.addf %add3A_160, %mul3A_161 : vector<16xf32>
      %mul3A_163 = arith.mulf %gather3A_92, %gather3A_92 : vector<16xf32>
      %add3A_164 = arith.addf %add3A_162, %mul3A_163 : vector<16xf32>
      %mul3A_165 = arith.mulf %gather3A_95, %gather3A_95 : vector<16xf32>
      %add3A_166 = arith.addf %add3A_164, %mul3A_165 : vector<16xf32>
      %mul3A_167 = arith.mulf %gather3A_98, %gather3A_98 : vector<16xf32>
      %add3A_168 = arith.addf %add3A_166, %mul3A_167 : vector<16xf32>
      %mul3A_169 = arith.mulf %gather3A_101, %gather3A_101 : vector<16xf32>
      %add3A_170 = arith.addf %add3A_168, %mul3A_169 : vector<16xf32>
      %mul3A_171 = arith.mulf %gather3A_104, %gather3A_104 : vector<16xf32>
      %add3A_172 = arith.addf %add3A_170, %mul3A_171 : vector<16xf32>
      %mul3A_173 = arith.mulf %gather3A_107, %gather3A_107 : vector<16xf32>
      %add3A_174 = arith.addf %add3A_172, %mul3A_173 : vector<16xf32>
      %mul3A_175 = arith.mulf %gather3A_110, %gather3A_110 : vector<16xf32>
      %add3A_176 = arith.addf %add3A_174, %mul3A_175 : vector<16xf32>
      %mul3A_177 = arith.mulf %gather3A_113, %gather3A_113 : vector<16xf32>
      %add3A_178 = arith.addf %add3A_176, %mul3A_177 : vector<16xf32>
      %mul3A_179 = arith.mulf %gather3A_116, %gather3A_116 : vector<16xf32>
      %add3A_180 = arith.addf %add3A_178, %mul3A_179 : vector<16xf32>
      %mul3A_181 = arith.mulf %gather3A_119, %gather3A_119 : vector<16xf32>
      %add3A_182 = arith.addf %add3A_180, %mul3A_181 : vector<16xf32>
      %max3A = arith.constant 1.000000e-24 : f32
      %max3A_183 = vector.broadcast %max3A : f32 to vector<16xf32>
      %max3A_184 = arith.maximumf %add3A_182, %max3A_183 : vector<16xf32>
      %bitcast3A = vector.bitcast %max3A_184 : vector<16xf32> to vector<16xi32>
      %shift_right_logical3A = arith.constant 1 : i32
      %shift_right_logical3A_185 = vector.broadcast %shift_right_logical3A : i32 to vector<16xi32>
      %shift_right_logical3A_186 = arith.shrui %bitcast3A, %shift_right_logical3A_185 : vector<16xi32>
      %sub3A = arith.constant 1597463007 : i32
      %sub3A_187 = vector.broadcast %sub3A : i32 to vector<16xi32>
      %sub3A_188 = arith.subi %sub3A_187, %shift_right_logical3A_186 : vector<16xi32>
      %bitcast3A_189 = vector.bitcast %sub3A_188 : vector<16xi32> to vector<16xf32>
      %mul3A_190 = arith.constant 5.000000e-01 : f32
      %mul3A_191 = vector.broadcast %mul3A_190 : f32 to vector<16xf32>
      %mul3A_192 = arith.mulf %max3A_184, %mul3A_191 : vector<16xf32>
      %mul3A_193 = arith.mulf %mul3A_192, %bitcast3A_189 : vector<16xf32>
      %mul3A_194 = arith.mulf %mul3A_193, %bitcast3A_189 : vector<16xf32>
      %sub3A_195 = arith.constant 1.500000e+00 : f32
      %sub3A_196 = vector.broadcast %sub3A_195 : f32 to vector<16xf32>
      %sub3A_197 = arith.subf %sub3A_196, %mul3A_194 : vector<16xf32>
      %mul3A_198 = arith.mulf %bitcast3A_189, %sub3A_197 : vector<16xf32>
      %mul3A_199 = arith.mulf %mul3A_192, %mul3A_198 : vector<16xf32>
      %mul3A_200 = arith.mulf %mul3A_199, %mul3A_198 : vector<16xf32>
      %sub3A_201 = arith.constant 1.500000e+00 : f32
      %sub3A_202 = vector.broadcast %sub3A_201 : f32 to vector<16xf32>
      %sub3A_203 = arith.subf %sub3A_202, %mul3A_200 : vector<16xf32>
      %mul3A_204 = arith.mulf %mul3A_198, %sub3A_203 : vector<16xf32>
      %mul3A_205 = arith.mulf %mul3A_192, %mul3A_204 : vector<16xf32>
      %mul3A_206 = arith.mulf %mul3A_205, %mul3A_204 : vector<16xf32>
      %sub3A_207 = arith.constant 1.500000e+00 : f32
      %sub3A_208 = vector.broadcast %sub3A_207 : f32 to vector<16xf32>
      %sub3A_209 = arith.subf %sub3A_208, %mul3A_206 : vector<16xf32>
      %mul3A_210 = arith.mulf %mul3A_204, %sub3A_209 : vector<16xf32>
      %mul3A_211 = arith.mulf %gather3A, %mul3A_210 : vector<16xf32>
      %swap3A = arith.constant 0 : i32
      %swap3A_212 = arith.index_cast %swap3A : i32 to index
      %swap3A_213 = arith.index_cast %mul3A_21 : i32 to index
      %swap3A_214 = tpu.vector_load %arg7[%swap3A_212, %swap3A_213] {strides = array<i32>} : memref<32x512xf32, #tpu.memory_space<vmem>>, vector<16xf32>,
      tpu.vector_store %arg7[%swap3A_212, %swap3A_213], %mul3A_211 {strides = array<i32>} : memref<32x512xf32, #tpu.memory_space<vmem>>, vector<16xf32>,
      %mul3A_215 = arith.mulf %gather3A_29, %mul3A_210 : vector<16xf32>
      %swap3A_216 = arith.constant 1 : i32
      %swap3A_217 = arith.index_cast %swap3A_216 : i32 to index
      %swap3A_218 = arith.index_cast %mul3A_21 : i32 to index
      %swap3A_219 = tpu.vector_load %arg7[%swap3A_217, %swap3A_218] {strides = array<i32>} : memref<32x512xf32, #tpu.memory_space<vmem>>, vector<16xf32>,
      tpu.vector_store %arg7[%swap3A_217, %swap3A_218], %mul3A_215 {strides = array<i32>} : memref<32x512xf32, #tpu.memory_space<vmem>>, vector<16xf32>,
      %mul3A_220 = arith.mulf %gather3A_32, %mul3A_210 : vector<16xf32>
      %swap3A_221 = arith.constant 2 : i32
      %swap3A_222 = arith.index_cast %swap3A_221 : i32 to index
      %swap3A_223 = arith.index_cast %mul3A_21 : i32 to index
      %swap3A_224 = tpu.vector_load %arg7[%swap3A_222, %swap3A_223] {strides = array<i32>} : memref<32x512xf32, #tpu.memory_space<vmem>>, vector<16xf32>,
      tpu.vector_store %arg7[%swap3A_222, %swap3A_223], %mul3A_220 {strides = array<i32>} : memref<32x512xf32, #tpu.memory_space<vmem>>, vector<16xf32>,
      %mul3A_225 = arith.mulf %gather3A_35, %mul3A_210 : vector<16xf32>
      %swap3A_226 = arith.constant 3 : i32
      %swap3A_227 = arith.index_cast %swap3A_226 : i32 to index
      %swap3A_228 = arith.index_cast %mul3A_21 : i32 to index
      %swap3A_229 = tpu.vector_load %arg7[%swap3A_227, %swap3A_228] {strides = array<i32>} : memref<32x512xf32, #tpu.memory_space<vmem>>, vector<16xf32>,
      tpu.vector_store %arg7[%swap3A_227, %swap3A_228], %mul3A_225 {strides = array<i32>} : memref<32x512xf32, #tpu.memory_space<vmem>>, vector<16xf32>,
      %mul3A_230 = arith.mulf %gather3A_38, %mul3A_210 : vector<16xf32>
      %swap3A_231 = arith.constant 4 : i32
      %swap3A_232 = arith.index_cast %swap3A_231 : i32 to index
      %swap3A_233 = arith.index_cast %mul3A_21 : i32 to index
      %swap3A_234 = tpu.vector_load %arg7[%swap3A_232, %swap3A_233] {strides = array<i32>} : memref<32x512xf32, #tpu.memory_space<vmem>>, vector<16xf32>,
      tpu.vector_store %arg7[%swap3A_232, %swap3A_233], %mul3A_230 {strides = array<i32>} : memref<32x512xf32, #tpu.memory_space<vmem>>, vector<16xf32>,
      %mul3A_235 = arith.mulf %gather3A_41, %mul3A_210 : vector<16xf32>
      %swap3A_236 = arith.constant 5 : i32
      %swap3A_237 = arith.index_cast %swap3A_236 : i32 to index
      %swap3A_238 = arith.index_cast %mul3A_21 : i32 to index
      %swap3A_239 = tpu.vector_load %arg7[%swap3A_237, %swap3A_238] {strides = array<i32>} : memref<32x512xf32, #tpu.memory_space<vmem>>, vector<16xf32>,
      tpu.vector_store %arg7[%swap3A_237, %swap3A_238], %mul3A_235 {strides = array<i32>} : memref<32x512xf32, #tpu.memory_space<vmem>>, vector<16xf32>,
      %mul3A_240 = arith.mulf %gather3A_44, %mul3A_210 : vector<16xf32>
      %swap3A_241 = arith.constant 6 : i32
      %swap3A_242 = arith.index_cast %swap3A_241 : i32 to index
      %swap3A_243 = arith.index_cast %mul3A_21 : i32 to index
      %swap3A_244 = tpu.vector_load %arg7[%swap3A_242, %swap3A_243] {strides = array<i32>} : memref<32x512xf32, #tpu.memory_space<vmem>>, vector<16xf32>,
      tpu.vector_store %arg7[%swap3A_242, %swap3A_243], %mul3A_240 {strides = array<i32>} : memref<32x512xf32, #tpu.memory_space<vmem>>, vector<16xf32>,
      %mul3A_245 = arith.mulf %gather3A_47, %mul3A_210 : vector<16xf32>
      %swap3A_246 = arith.constant 7 : i32
      %swap3A_247 = arith.index_cast %swap3A_246 : i32 to index
      %swap3A_248 = arith.index_cast %mul3A_21 : i32 to index
      %swap3A_249 = tpu.vector_load %arg7[%swap3A_247, %swap3A_248] {strides = array<i32>} : memref<32x512xf32, #tpu.memory_space<vmem>>, vector<16xf32>,
      tpu.vector_store %arg7[%swap3A_247, %swap3A_248], %mul3A_245 {strides = array<i32>} : memref<32x512xf32, #tpu.memory_space<vmem>>, vector<16xf32>,
      %mul3A_250 = arith.mulf %gather3A_50, %mul3A_210 : vector<16xf32>
      %swap3A_251 = arith.constant 8 : i32
      %swap3A_252 = arith.index_cast %swap3A_251 : i32 to index
      %swap3A_253 = arith.index_cast %mul3A_21 : i32 to index
      %swap3A_254 = tpu.vector_load %arg7[%swap3A_252, %swap3A_253] {strides = array<i32>} : memref<32x512xf32, #tpu.memory_space<vmem>>, vector<16xf32>,
      tpu.vector_store %arg7[%swap3A_252, %swap3A_253], %mul3A_250 {strides = array<i32>} : memref<32x512xf32, #tpu.memory_space<vmem>>, vector<16xf32>,
      %mul3A_255 = arith.mulf %gather3A_53, %mul3A_210 : vector<16xf32>
      %swap3A_256 = arith.constant 9 : i32
      %swap3A_257 = arith.index_cast %swap3A_256 : i32 to index
      %swap3A_258 = arith.index_cast %mul3A_21 : i32 to index
      %swap3A_259 = tpu.vector_load %arg7[%swap3A_257, %swap3A_258] {strides = array<i32>} : memref<32x512xf32, #tpu.memory_space<vmem>>, vector<16xf32>,
      tpu.vector_store %arg7[%swap3A_257, %swap3A_258], %mul3A_255 {strides = array<i32>} : memref<32x512xf32, #tpu.memory_space<vmem>>, vector<16xf32>,
      %mul3A_260 = arith.mulf %gather3A_56, %mul3A_210 : vector<16xf32>
      %swap3A_261 = arith.constant 10 : i32
      %swap3A_262 = arith.index_cast %swap3A_261 : i32 to index
      %swap3A_263 = arith.index_cast %mul3A_21 : i32 to index
      %swap3A_264 = tpu.vector_load %arg7[%swap3A_262, %swap3A_263] {strides = array<i32>} : memref<32x512xf32, #tpu.memory_space<vmem>>, vector<16xf32>,
      tpu.vector_store %arg7[%swap3A_262, %swap3A_263], %mul3A_260 {strides = array<i32>} : memref<32x512xf32, #tpu.memory_space<vmem>>, vector<16xf32>,
      %mul3A_265 = arith.mulf %gather3A_59, %mul3A_210 : vector<16xf32>
      %swap3A_266 = arith.constant 11 : i32
      %swap3A_267 = arith.index_cast %swap3A_266 : i32 to index
      %swap3A_268 = arith.index_cast %mul3A_21 : i32 to index
      %swap3A_269 = tpu.vector_load %arg7[%swap3A_267, %swap3A_268] {strides = array<i32>} : memref<32x512xf32, #tpu.memory_space<vmem>>, vector<16xf32>,
      tpu.vector_store %arg7[%swap3A_267, %swap3A_268], %mul3A_265 {strides = array<i32>} : memref<32x512xf32, #tpu.memory_space<vmem>>, vector<16xf32>,
      %mul3A_270 = arith.mulf %gather3A_62, %mul3A_210 : vector<16xf32>
      %swap3A_271 = arith.constant 12 : i32
      %swap3A_272 = arith.index_cast %swap3A_271 : i32 to index
      %swap3A_273 = arith.index_cast %mul3A_21 : i32 to index
      %swap3A_274 = tpu.vector_load %arg7[%swap3A_272, %swap3A_273] {strides = array<i32>} : memref<32x512xf32, #tpu.memory_space<vmem>>, vector<16xf32>,
      tpu.vector_store %arg7[%swap3A_272, %swap3A_273], %mul3A_270 {strides = array<i32>} : memref<32x512xf32, #tpu.memory_space<vmem>>, vector<16xf32>,
      %mul3A_275 = arith.mulf %gather3A_65, %mul3A_210 : vector<16xf32>
      %swap3A_276 = arith.constant 13 : i32
      %swap3A_277 = arith.index_cast %swap3A_276 : i32 to index
      %swap3A_278 = arith.index_cast %mul3A_21 : i32 to index
      %swap3A_279 = tpu.vector_load %arg7[%swap3A_277, %swap3A_278] {strides = array<i32>} : memref<32x512xf32, #tpu.memory_space<vmem>>, vector<16xf32>,
      tpu.vector_store %arg7[%swap3A_277, %swap3A_278], %mul3A_275 {strides = array<i32>} : memref<32x512xf32, #tpu.memory_space<vmem>>, vector<16xf32>,
      %mul3A_280 = arith.mulf %gather3A_68, %mul3A_210 : vector<16xf32>
      %swap3A_281 = arith.constant 14 : i32
      %swap3A_282 = arith.index_cast %swap3A_281 : i32 to index
      %swap3A_283 = arith.index_cast %mul3A_21 : i32 to index
      %swap3A_284 = tpu.vector_load %arg7[%swap3A_282, %swap3A_283] {strides = array<i32>} : memref<32x512xf32, #tpu.memory_space<vmem>>, vector<16xf32>,
      tpu.vector_store %arg7[%swap3A_282, %swap3A_283], %mul3A_280 {strides = array<i32>} : memref<32x512xf32, #tpu.memory_space<vmem>>, vector<16xf32>,
      %mul3A_285 = arith.mulf %gather3A_71, %mul3A_210 : vector<16xf32>
      %swap3A_286 = arith.constant 15 : i32
      %swap3A_287 = arith.index_cast %swap3A_286 : i32 to index
      %swap3A_288 = arith.index_cast %mul3A_21 : i32 to index
      %swap3A_289 = tpu.vector_load %arg7[%swap3A_287, %swap3A_288] {strides = array<i32>} : memref<32x512xf32, #tpu.memory_space<vmem>>, vector<16xf32>,
      tpu.vector_store %arg7[%swap3A_287, %swap3A_288], %mul3A_285 {strides = array<i32>} : memref<32x512xf32, #tpu.memory_space<vmem>>, vector<16xf32>,
      %mul3A_290 = arith.mulf %gather3A_74, %mul3A_210 : vector<16xf32>
      %swap3A_291 = arith.constant 16 : i32
      %swap3A_292 = arith.index_cast %swap3A_291 : i32 to index
      %swap3A_293 = arith.index_cast %mul3A_21 : i32 to index
      %swap3A_294 = tpu.vector_load %arg7[%swap3A_292, %swap3A_293] {strides = array<i32>} : memref<32x512xf32, #tpu.memory_space<vmem>>, vector<16xf32>,
      tpu.vector_store %arg7[%swap3A_292, %swap3A_293], %mul3A_290 {strides = array<i32>} : memref<32x512xf32, #tpu.memory_space<vmem>>, vector<16xf32>,
      %mul3A_295 = arith.mulf %gather3A_77, %mul3A_210 : vector<16xf32>
      %swap3A_296 = arith.constant 17 : i32
      %swap3A_297 = arith.index_cast %swap3A_296 : i32 to index
      %swap3A_298 = arith.index_cast %mul3A_21 : i32 to index
      %swap3A_299 = tpu.vector_load %arg7[%swap3A_297, %swap3A_298] {strides = array<i32>} : memref<32x512xf32, #tpu.memory_space<vmem>>, vector<16xf32>,
      tpu.vector_store %arg7[%swap3A_297, %swap3A_298], %mul3A_295 {strides = array<i32>} : memref<32x512xf32, #tpu.memory_space<vmem>>, vector<16xf32>,
      %mul3A_300 = arith.mulf %gather3A_80, %mul3A_210 : vector<16xf32>
      %swap3A_301 = arith.constant 18 : i32
      %swap3A_302 = arith.index_cast %swap3A_301 : i32 to index
      %swap3A_303 = arith.index_cast %mul3A_21 : i32 to index
      %swap3A_304 = tpu.vector_load %arg7[%swap3A_302, %swap3A_303] {strides = array<i32>} : memref<32x512xf32, #tpu.memory_space<vmem>>, vector<16xf32>,
      tpu.vector_store %arg7[%swap3A_302, %swap3A_303], %mul3A_300 {strides = array<i32>} : memref<32x512xf32, #tpu.memory_space<vmem>>, vector<16xf32>,
      %mul3A_305 = arith.mulf %gather3A_83, %mul3A_210 : vector<16xf32>
      %swap3A_306 = arith.constant 19 : i32
      %swap3A_307 = arith.index_cast %swap3A_306 : i32 to index
      %swap3A_308 = arith.index_cast %mul3A_21 : i32 to index
      %swap3A_309 = tpu.vector_load %arg7[%swap3A_307, %swap3A_308] {strides = array<i32>} : memref<32x512xf32, #tpu.memory_space<vmem>>, vector<16xf32>,
      tpu.vector_store %arg7[%swap3A_307, %swap3A_308], %mul3A_305 {strides = array<i32>} : memref<32x512xf32, #tpu.memory_space<vmem>>, vector<16xf32>,
      %mul3A_310 = arith.mulf %gather3A_86, %mul3A_210 : vector<16xf32>
      %swap3A_311 = arith.constant 20 : i32
      %swap3A_312 = arith.index_cast %swap3A_311 : i32 to index
      %swap3A_313 = arith.index_cast %mul3A_21 : i32 to index
      %swap3A_314 = tpu.vector_load %arg7[%swap3A_312, %swap3A_313] {strides = array<i32>} : memref<32x512xf32, #tpu.memory_space<vmem>>, vector<16xf32>,
      tpu.vector_store %arg7[%swap3A_312, %swap3A_313], %mul3A_310 {strides = array<i32>} : memref<32x512xf32, #tpu.memory_space<vmem>>, vector<16xf32>,
      %mul3A_315 = arith.mulf %gather3A_89, %mul3A_210 : vector<16xf32>
      %swap3A_316 = arith.constant 21 : i32
      %swap3A_317 = arith.index_cast %swap3A_316 : i32 to index
      %swap3A_318 = arith.index_cast %mul3A_21 : i32 to index
      %swap3A_319 = tpu.vector_load %arg7[%swap3A_317, %swap3A_318] {strides = array<i32>} : memref<32x512xf32, #tpu.memory_space<vmem>>, vector<16xf32>,
      tpu.vector_store %arg7[%swap3A_317, %swap3A_318], %mul3A_315 {strides = array<i32>} : memref<32x512xf32, #tpu.memory_space<vmem>>, vector<16xf32>,
      %mul3A_320 = arith.mulf %gather3A_92, %mul3A_210 : vector<16xf32>
      %swap3A_321 = arith.constant 22 : i32
      %swap3A_322 = arith.index_cast %swap3A_321 : i32 to index
      %swap3A_323 = arith.index_cast %mul3A_21 : i32 to index
      %swap3A_324 = tpu.vector_load %arg7[%swap3A_322, %swap3A_323] {strides = array<i32>} : memref<32x512xf32, #tpu.memory_space<vmem>>, vector<16xf32>,
      tpu.vector_store %arg7[%swap3A_322, %swap3A_323], %mul3A_320 {strides = array<i32>} : memref<32x512xf32, #tpu.memory_space<vmem>>, vector<16xf32>,
      %mul3A_325 = arith.mulf %gather3A_95, %mul3A_210 : vector<16xf32>
      %swap3A_326 = arith.constant 23 : i32
      %swap3A_327 = arith.index_cast %swap3A_326 : i32 to index
      %swap3A_328 = arith.index_cast %mul3A_21 : i32 to index
      %swap3A_329 = tpu.vector_load %arg7[%swap3A_327, %swap3A_328] {strides = array<i32>} : memref<32x512xf32, #tpu.memory_space<vmem>>, vector<16xf32>,
      tpu.vector_store %arg7[%swap3A_327, %swap3A_328], %mul3A_325 {strides = array<i32>} : memref<32x512xf32, #tpu.memory_space<vmem>>, vector<16xf32>,
      %mul3A_330 = arith.mulf %gather3A_98, %mul3A_210 : vector<16xf32>
      %swap3A_331 = arith.constant 24 : i32
      %swap3A_332 = arith.index_cast %swap3A_331 : i32 to index
      %swap3A_333 = arith.index_cast %mul3A_21 : i32 to index
      %swap3A_334 = tpu.vector_load %arg7[%swap3A_332, %swap3A_333] {strides = array<i32>} : memref<32x512xf32, #tpu.memory_space<vmem>>, vector<16xf32>,
      tpu.vector_store %arg7[%swap3A_332, %swap3A_333], %mul3A_330 {strides = array<i32>} : memref<32x512xf32, #tpu.memory_space<vmem>>, vector<16xf32>,
      %mul3A_335 = arith.mulf %gather3A_101, %mul3A_210 : vector<16xf32>
      %swap3A_336 = arith.constant 25 : i32
      %swap3A_337 = arith.index_cast %swap3A_336 : i32 to index
      %swap3A_338 = arith.index_cast %mul3A_21 : i32 to index
      %swap3A_339 = tpu.vector_load %arg7[%swap3A_337, %swap3A_338] {strides = array<i32>} : memref<32x512xf32, #tpu.memory_space<vmem>>, vector<16xf32>,
      tpu.vector_store %arg7[%swap3A_337, %swap3A_338], %mul3A_335 {strides = array<i32>} : memref<32x512xf32, #tpu.memory_space<vmem>>, vector<16xf32>,
      %mul3A_340 = arith.mulf %gather3A_104, %mul3A_210 : vector<16xf32>
      %swap3A_341 = arith.constant 26 : i32
      %swap3A_342 = arith.index_cast %swap3A_341 : i32 to index
      %swap3A_343 = arith.index_cast %mul3A_21 : i32 to index
      %swap3A_344 = tpu.vector_load %arg7[%swap3A_342, %swap3A_343] {strides = array<i32>} : memref<32x512xf32, #tpu.memory_space<vmem>>, vector<16xf32>,
      tpu.vector_store %arg7[%swap3A_342, %swap3A_343], %mul3A_340 {strides = array<i32>} : memref<32x512xf32, #tpu.memory_space<vmem>>, vector<16xf32>,
      %mul3A_345 = arith.mulf %gather3A_107, %mul3A_210 : vector<16xf32>
      %swap3A_346 = arith.constant 27 : i32
      %swap3A_347 = arith.index_cast %swap3A_346 : i32 to index
      %swap3A_348 = arith.index_cast %mul3A_21 : i32 to index
      %swap3A_349 = tpu.vector_load %arg7[%swap3A_347, %swap3A_348] {strides = array<i32>} : memref<32x512xf32, #tpu.memory_space<vmem>>, vector<16xf32>,
      tpu.vector_store %arg7[%swap3A_347, %swap3A_348], %mul3A_345 {strides = array<i32>} : memref<32x512xf32, #tpu.memory_space<vmem>>, vector<16xf32>,
      %mul3A_350 = arith.mulf %gather3A_110, %mul3A_210 : vector<16xf32>
      %swap3A_351 = arith.constant 28 : i32
      %swap3A_352 = arith.index_cast %swap3A_351 : i32 to index
      %swap3A_353 = arith.index_cast %mul3A_21 : i32 to index
      %swap3A_354 = tpu.vector_load %arg7[%swap3A_352, %swap3A_353] {strides = array<i32>} : memref<32x512xf32, #tpu.memory_space<vmem>>, vector<16xf32>,
      tpu.vector_store %arg7[%swap3A_352, %swap3A_353], %mul3A_350 {strides = array<i32>} : memref<32x512xf32, #tpu.memory_space<vmem>>, vector<16xf32>,
      %mul3A_355 = arith.mulf %gather3A_113, %mul3A_210 : vector<16xf32>
      %swap3A_356 = arith.constant 29 : i32
      %swap3A_357 = arith.index_cast %swap3A_356 : i32 to index
      %swap3A_358 = arith.index_cast %mul3A_21 : i32 to index
      %swap3A_359 = tpu.vector_load %arg7[%swap3A_357, %swap3A_358] {strides = array<i32>} : memref<32x512xf32, #tpu.memory_space<vmem>>, vector<16xf32>,
      tpu.vector_store %arg7[%swap3A_357, %swap3A_358], %mul3A_355 {strides = array<i32>} : memref<32x512xf32, #tpu.memory_space<vmem>>, vector<16xf32>,
      %mul3A_360 = arith.mulf %gather3A_116, %mul3A_210 : vector<16xf32>
      %swap3A_361 = arith.constant 30 : i32
      %swap3A_362 = arith.index_cast %swap3A_361 : i32 to index
      %swap3A_363 = arith.index_cast %mul3A_21 : i32 to index
      %swap3A_364 = tpu.vector_load %arg7[%swap3A_362, %swap3A_363] {strides = array<i32>} : memref<32x512xf32, #tpu.memory_space<vmem>>, vector<16xf32>,
      tpu.vector_store %arg7[%swap3A_362, %swap3A_363], %mul3A_360 {strides = array<i32>} : memref<32x512xf32, #tpu.memory_space<vmem>>, vector<16xf32>,
      %mul3A_365 = arith.mulf %gather3A_119, %mul3A_210 : vector<16xf32>
      %swap3A_366 = arith.constant 31 : i32
      %swap3A_367 = arith.index_cast %swap3A_366 : i32 to index
      %swap3A_368 = arith.index_cast %mul3A_21 : i32 to index
      %swap3A_369 = tpu.vector_load %arg7[%swap3A_367, %swap3A_368] {strides = array<i32>} : memref<32x512xf32, #tpu.memory_space<vmem>>, vector<16xf32>,
      tpu.vector_store %arg7[%swap3A_367, %swap3A_368], %mul3A_365 {strides = array<i32>} : memref<32x512xf32, #tpu.memory_space<vmem>>, vector<16xf32>,
    }
    %scan3A_18 = arith.constant 32 : i32
    "tpu.region"() ({
      %run_scoped3A = tpu.sem_alloc : memref<!tpu.dma_semaphore, #tpu.memory_space<semaphore_mem>>
      %dma_start3A = arith.constant 0 : i32
      %dma_start3A_19 = tpu.memref_slice %arg4[%dma_start3A, %mul3A_2] : memref<32x16384xf32, #tpu.memory_space<hbm>> -> memref<32x512xf32, #tpu.memory_space<hbm>>
      %dma_start3A_20 = arith.constant 0 : i32
      %dma_start3A_21 = tpu.memref_slice %arg4[%dma_start3A_20, %mul3A_2] : memref<32x16384xf32, #tpu.memory_space<hbm>> -> memref<32x512xf32, #tpu.memory_space<hbm>>
      tpu.enqueue_dma source(%arg7 : memref<32x512xf32, #tpu.memory_space<vmem>>) target(%dma_start3A_21 : memref<32x512xf32, #tpu.memory_space<hbm>>) target_semaphore(%run_scoped3A : memref<!tpu.dma_semaphore, #tpu.memory_space<semaphore_mem>>)
      %dma_wait3A_22 = arith.constant 0 : i32
      %dma_wait3A_23 = tpu.memref_slice %arg4[%dma_wait3A_22, %mul3A_2] : memref<32x16384xf32, #tpu.memory_space<hbm>> -> memref<32x512xf32, #tpu.memory_space<hbm>>
      %dma_wait3A_24 = arith.constant 0 : i32
      %dma_wait3A_25 = tpu.memref_slice %arg4[%dma_wait3A_24, %mul3A_2] : memref<32x16384xf32, #tpu.memory_space<hbm>> -> memref<32x512xf32, #tpu.memory_space<hbm>>
      tpu.wait_dma2 semaphore(%run_scoped3A : memref<!tpu.dma_semaphore, #tpu.memory_space<semaphore_mem>>) src(%arg7 : memref<32x512xf32, #tpu.memory_space<vmem>>) dst(%dma_wait3A_25 : memref<32x512xf32, #tpu.memory_space<hbm>>)
      tpu.yield
    }) : () -> ()
    return
  }
}

</mosaic_0001>

<sc_bundles>
// kernel: _lookup_normalize.3.cloned.1.call-start
scs
__scs_entry_jumppad:
0x0: {  	(pc) =	sbr.rel $0x88, $3  }
0x1: {  	(tag) =	ssettag $0x0;
	lr =	simm.s32 $0x1  }
0x2: {  	[smem:$0x3F9F] =	sst lr;
	_ =	strace $0xD0000000  }
0x3: {  	_ = 	snop  }
0x4: {  	_ = 	snop  }
0x5: {  	_ = 	snop  }
0x6: {  	_ = 	snop  }
0x7: {  	_ = 	snop  }
__scs_overlays_trampoline_lowered:
0x8: {  	[smem:$0x3FAE] =	sst s0  }
0x9: {  	[smem:$0x3FAF] =	sst s1  }
0xa: {  	[smem:$0x3FB0] =	sst s2  }
0xb: {  	[smem:$0x3FB1] =	sst s3  }
0xc: {  	[smem:$0x3FB2] =	sst s4  }
0xd: {  	[smem:$0x3FB3] =	sst s5  }
0xe: {  	[smem:$0x3FB4] =	sst s6  }
0xf: {  	[smem:$0x3FB5] =	sst s7  }
0x10: {  	[smem:$0x3FB6] =	sst s8  }
0x11: {  	[smem:$0x3FB7] =	sst s9;
	s0 =	simm.s32 @!p0 $0x0  }
0x12: {  	s1 =	sld [smem:$0x3F9D];
	s0 =	simm.s32 @p0 $0x1  }
0x13: {  	[smem:$0x3FB8] =	sst s0;
	s0 =	simm.s32 @!p1 $0x0  }
0x14: {  	s2 =	sld [smem:$0x3F9C];
	s0 =	simm.s32 @p1 $0x1  }
0x15: {  	[smem:$0x3FB9] =	sst s0;
	s0 =	simm.s32 @!p2 $0x0  }
0x16: {  	s3 =	sld [smem:$0x3FDB];
	s0 =	simm.s32 @p2 $0x1  }
0x17: {  	s4 =	simm.s32 $0x1BF5;
	[smem:$0x3FBB] =	sst s0  }
0x18: {  	s0 =	sld [smem:$0x3F9E];
	_ =	swait.ge [sflag:s4], $0x0  }
0x19: {  	s7 =	sld [smem:$0x3F9F]  }
0x1a: {  	s8 =	sadd.s32 $0xFFFFE003, lr  }
0x1b: {  	s9 =	sadd.s32 $0xFFFFFEF7, lr;
	s5 =	simm.s32 $0xFFFFFFFF;
	p2 =	slt.u32 s8, $0xFFFFF086  }
0x1c: {  	p1 =	slt.u32 s9, $0xF7A;
	s5 =	simm.s32 @!p2 $0x0  }
0x1d: {  	s5 =	simm.s32 @p1 $0x1;
	p0 =	seq.s32 s7, s2  }
0x1e: {  	s7 =	smul.u32 @!p0 $0xF7A, s2;
	p2 =	seq.s32 @!p0 s5, $0x0  }
0x1f: {  	s9 =	smul.u32 $0xF7A, s1;
	s8 =	simm.s32 @!p0 $0x1BF5;
	p2 =	por !p2, p0  }
0x20: {  	[sflag:s8] =	ssyncset.s32 @!p0 $0xFFFFF086;
	s6 =	sadd.s32 @!p0 s3, s7;
	s7 =	simm.s32 @!p0 $0x108  }
0x21: {  	s3 =	sadd.s32 s3, s9;
	s6 =	sadd.s32 @!p0 $0x88, s6;
	s7 =	simm.s32 @p2 $0x1082  }
0x22: {  	[simem:s7], [sflag:s8] =	dma.local @!p0 [hbm:s6], $0xF7A  }
0x23: {  	s9 =	sor.u32 $0xD0000000, s2;
	s6 =	simm.s32 $0x108;
	_ =	swait.ge @!p0 [sflag:s8], $0x0  }
0x24: {  	s3 =	sadd.s32 $0x88, s3;
	s6 =	simm.s32 @!p1 $0x1082;
	[sflag:s4] =	ssyncset.s32 $0xFFFFF086  }
0x25: {  	[simem:s6], [sflag:s4] =	dma.local [hbm:s3], $0xF7A  }
0x26: {  	[smem:$0x3F9F] =	sst s1;
	(tag) =	ssettag s2;
	_ =	strace s9  }
0x27: {  	s1 =	sld [smem:$0x3FAF]  }
0x28: {  	s2 =	sld [smem:$0x3FB0]  }
0x29: {  	s4 =	sld [smem:$0x3FB2]  }
0x2a: {  	p0 =	seq.s32 s5, $0x0;
	s5 =	sld [smem:$0x3FB3]  }
0x2b: {  	s6 =	sld [smem:$0x3FB4]  }
0x2c: {  	s7 =	sld [smem:$0x3FB5]  }
0x2d: {  	s3 =	simm.s32 $0x108;
	s8 =	sld [smem:$0x3FB6]  }
0x2e: {  	s3 =	simm.s32 @!p0 $0x1082;
	s9 =	sld [smem:$0x3FB7]  }
0x2f: {  	lr =	sadd.s32 s0, s3;
	s0 =	sld [smem:$0x3FAE]  }
0x30: {  	s3 =	sld [smem:$0x3FB1]  }
0x31: {  	[smem:$0x3FBA] =	sst s10  }
0x32: {  	s10 =	sld [smem:$0x3FB8];
	_ =	sdelay $0x3  }
0x33: {  	p0 =	seq.s32 s10, $0x1;
	s10 =	sld [smem:$0x3FBA];
	_ =	sdelay $0x3  }
0x34: {  	[smem:$0x3FBA] =	sst s10  }
0x35: {  	s10 =	sld [smem:$0x3FB9];
	_ =	sdelay $0x3  }
0x36: {  	p1 =	seq.s32 s10, $0x1;
	s10 =	sld [smem:$0x3FBA];
	_ =	sdelay $0x3  }
0x37: {  	[smem:$0x3FBA] =	sst s10  }
0x38: {  	s10 =	sld [smem:$0x3FBB]  }
0x39: {  	_ = 	snop;
	(pc) =	sbr.ind lr, $3  }
0x3a: {  	_ = 	snop  }
0x3b: {  	_ = 	snop  }
0x3c: {  	p2 =	seq.s32 s10, $0x1;
	s10 =	sld [smem:$0x3FBA]  }
0x3d: {  	_ =	shalt  }
0x3e: {  	_ =	shalt  }
0x3f: {  	_ =	shalt  }
0x40: {  	_ =	shalt  }
0x41: {  	_ =	shalt  }
0x42: {  	_ =	shalt  }
0x43: {  	_ =	shalt  }
0x44: {  	_ =	shalt  }
0x45: {  	_ =	shalt  }
0x46: {  	_ =	shalt  }
0x47: {  	_ =	shalt  }
0x48: {  	_ =	shalt  }
0x49: {  	_ =	shalt  }
0x4a: {  	_ =	shalt  }
0x4b: {  	_ =	shalt  }
0x4c: {  	_ =	shalt  }
0x4d: {  	_ =	shalt  }
0x4e: {  	_ =	shalt  }
0x4f: {  	_ =	shalt  }
0x50: {  	_ =	shalt  }
0x51: {  	_ =	shalt  }
0x52: {  	_ =	shalt  }
0x53: {  	_ =	shalt  }
0x54: {  	_ =	shalt  }
0x55: {  	_ =	shalt  }
0x56: {  	_ =	shalt  }
0x57: {  	_ =	shalt  }
0x58: {  	_ =	shalt  }
0x59: {  	_ =	shalt  }
0x5a: {  	_ =	shalt  }
0x5b: {  	_ =	shalt  }
0x5c: {  	_ =	shalt  }
0x5d: {  	_ =	shalt  }
0x5e: {  	_ =	shalt  }
0x5f: {  	_ =	shalt  }
0x60: {  	_ =	shalt  }
0x61: {  	_ =	shalt  }
0x62: {  	_ =	shalt  }
0x63: {  	_ =	shalt  }
0x64: {  	_ =	shalt  }
0x65: {  	_ =	shalt  }
0x66: {  	_ =	shalt  }
0x67: {  	_ =	shalt  }
0x68: {  	_ =	shalt  }
0x69: {  	_ =	shalt  }
0x6a: {  	_ =	shalt  }
0x6b: {  	_ =	shalt  }
0x6c: {  	_ =	shalt  }
0x6d: {  	_ =	shalt  }
0x6e: {  	_ =	shalt  }
0x6f: {  	_ =	shalt  }
0x70: {  	_ =	shalt  }
0x71: {  	_ =	shalt  }
0x72: {  	_ =	shalt  }
0x73: {  	_ =	shalt  }
0x74: {  	_ =	shalt  }
0x75: {  	_ =	shalt  }
0x76: {  	_ =	shalt  }
0x77: {  	_ =	shalt  }
0x78: {  	_ =	shalt  }
0x79: {  	_ =	shalt  }
0x7a: {  	_ =	shalt  }
0x7b: {  	_ =	shalt  }
0x7c: {  	_ =	shalt  }
0x7d: {  	_ =	shalt  }
0x7e: {  	_ =	shalt  }
0x7f: {  	_ =	shalt  }
0x80: {  	_ =	shalt  }
0x81: {  	_ =	shalt  }
0x82: {  	_ =	shalt  }
0x83: {  	_ =	shalt  }
0x84: {  	_ =	shalt  }
0x85: {  	_ =	shalt  }
0x86: {  	_ =	shalt  }
0x87: {  	_ =	shalt  }
.Lfunc_end0:
.L_simem_size_0:
called_computation_lowered:
.L_overlay_start_0:
0x88: {  	s2 =	sld [smem:$0x3FD9]  }
0x89: {  	s3 =	sld [smem:$0x3FFE];
	_ =	sdelay $0x1  }
0x8a: {  	s1 =	srdreg.scid  }
0x8b: {  	s0 =	sand.u32 $0x1, s1  }
0x8c: {  	s17 =	sshll.u32 s0, $0xA;
	s2 =	sadd.s32 s3, s2  }
0x8d: {  	s2 =	sadd.s32 s2, s17  }
0x8e: {  	[smem:$0x3FC6] =	sst s2  }
0x8f: {  	_ = 	snop  }
0x90: {  	s2 =	sld [smem:$0x3FC9]  }
0x91: {  	s18 =	sld [smem:$0x3FD0];
	(tm) =	ssettm $0x1  }
0x92: {  	s4 =	sld [smem:$0x3FFB];
	_ =	sdelay $0x3  }
0x93: {  	_ =	strace s4  }
0x94: {  	s4 =	sld [smem:$0x3FFC];
	_ =	sdelay $0x3  }
0x95: {  	_ =	strace s4  }
0x96: {  	s4 =	sld [smem:$0x3FFD];
	_ =	sdelay $0x3  }
0x97: {  	_ =	strace s4  }
0x98: {  	_ =	strace $0x8FFFFFFF  }
0x99: {  	s19 =	sld [smem:$0x3FDB];
	_ =	sdelay $0x1  }
0x9a: {  	s5 =	simm.s32 $_scs_section_size  }
0x9b: {  	s6 =	simm.s32 $_size__tile_overlayer_lowered;
	s7 =	simm.s32 $_tile_overlayer_lowered  }
0x9c: {  	s22 =	simm.s32 $0x1BFF;
	s21 =	sshll.u32 s7, $0x1;
	s4 =	sadd.s32 s5, s19  }
0x9d: {  	s8 =	simm.s32 $0x0;
	s20 =	sshll.u32 s6, $0x1;
	s6 =	sadd.s32 s21, s4  }
0x9e: {  	[timem:s8], [sflag:s22] =	dma.local [hbm:s6], s20  }
0x9f: {  	_ =	swait.ge [sflag:s22], s20  }
0xa0: {  	s5 =	ssub.s32 $0x0, s20;
	[sflag:s22] =	ssyncset.done $0x0  }
0xa1: {  	[sflag:s22] =	ssyncadd.s32 s5;
	_ =	sdelay $0x1  }
0xa2: {  	s23 =	simm.s32 $0x1B8B  }
0xa3: {  	_ =	swait.ge [sflag:s23], $0x1  }
0xa4: {  	[sflag:s23] =	ssyncset.done $0x0  }
0xa5: {  	s25 =	simm.s32 $0x1B8E;
	s24 =	sld [smem:$0x3FFE];
	[sflag:s23] =	ssyncadd.s32 $0xFFFFFFFF  }
0xa6: {  	s26 =	simm.s32 $execute0_lowered;
	[smem:$0x3FD2] =	sst s25  }
0xa7: {  	s6 =	sshll.u32 s26, $0x1;
	_ =	strace $0x80000046;
	[dreg:$0x1] =	wrdreg $0xFFFFFFFF  }
0xa8: {  	s28 =	simm.s32 $_size_execute0_lowered;
	s4 =	sadd.s32 s4, s6;
	[dreg:$0x0] =	wrdreg $0x0  }
0xa9: {  	s6 =	sshll.u32 s28, $0x1;
	[dreg:$0x2] =	wrdreg s4  }
0xaa: {  	[dreg:$0x3] =	wrdreg s6  }
0xab: {  	[dreg:$0x4] =	wrdreg $0xC0  }
0xac: {  	_ =	task [dreg:s8], $0x5FFFF  }
0xad: {  	[dreg:$0x1] =	wrdreg $0xFFFFFFFF  }
0xae: {  	[dreg:$0x0] =	wrdreg $0x60  }
0xaf: {  	[dreg:$0x2] =	wrdreg s2  }
0xb0: {  	[dreg:$0x3] =	wrdreg s24  }
0xb1: {  	[dreg:$0x4] =	wrdreg s18  }
0xb2: {  	[dreg:$0x5] =	wrdreg $0x9  }
0xb3: {  	_ =	task.clear_ibuf [dreg:s8], $0x6FFFF;
	_ =	strace $0x90000046  }
0xb4: {  	s29 =	simm.s32 $0x9;
	_ =	strace $0x80000048  }
0xb5: {  	_ =	swait.ge [sflag:s29], $0x1  }
0xb6: {  	[sflag:s29] =	ssyncadd.s32 $0xFFFFFFFF  }
0xb7: {  	_ =	strace $0x90000048  }
0xb8: {  	_ =	sfence  }
0xb9: {  	s30 =	sld [smem:$0x0];
	_ =	sdelay $0x2  }
0xba: {  	s31 =	sshll.u32 s1, $0xD;
	s1 =	sshrl.u32 s1, $0x2  }
0xbb: {  	s3 =	sand.u32 $0x4000, s31;
	s1 =	sadd.s32 s1, s30  }
0xbc: {  	s0 =	sor.u32 s3, s0;
	s1 =	sshll.u32 s1, $0x11  }
0xbd: {  	s0 =	sor.u32 s1, s0  }
0xbe: {  	s0 =	sadd.s32 $0x8F2B, s0  }
0xbf: {  	[sflag:s0] =	ssyncadd.remote.s32 $0x1  }
0xc0: {  	_ =	sfence.sel $0xFFFF  }
0xc1: {  	[dreg:$0x0] =	wrdreg $0xFFFFFFFF;
	(pc) =	sbr.abs _section_cstart, $3  }
0xc2: {  	[dreg:$0x1] =	wrdreg $0xFFFFFFFF  }
0xc3: {  	_ =	task.clear_ibuf [dreg:s8], $0x2FFFF;
	_ =	strace $0x9FFFFFFF  }
0xc4: {  	(tm) =	ssettm $0x7FFFFFFF  }
0xc5: {  	_ =	shalt  }
tec
execute0_lowered:
.L_overlay_start_1:
0x0: {  	(tag) =	ssettag $0x1  }
0x1: {  	s4 =	rddreg [dreg:$0x0]  }
0x2: {  	s3 =	rddreg [dreg:$0x1]  }
0x3: {  	s5 =	rddreg [dreg:$0x2]  }
0x4: {  	s2 =	srdreg.scid;
	s0 =	stileid.u32  }
0x5: {  	s11 =	simm.s32 $0x20000;
	s12 =	simm.s32 $0x10200;
	s13 =	simm.s32 $0x0  }
0x6: {  	s6 =	sand.u32 $0x1, s2;
	s2 =	simm.s32 $0x0;
	s7 =	sshll.u32 s0, $0xA  }
0x7: {  	s3 =	sadd.s32 $0x400, s3;
	s8 =	sshll.u32 s6, $0x9;
	[smem:$0x7FF] =	sst s2  }
0x8: {  	s6 =	ssub.s32 $0x2, s6;
	s7 =	sor.u32 s8, s7;
	_ =	strace $0x80000047  }
0x9: {  	s31 =	sshrl.u32 s6, $0x1;
	s8 =	simm.s32 $0x1;
	s9 =	sshrl.u32 s7, $0x3  }
0xa: {  	v0 =	vlaneseq.u32;
	s6 =	ssub.s32 s6, s31;
	s5 =	sadd.s32 s5, s7;
	s7 =	simm.s32 $0x2  }
0xb: {  	v0 =	vmul.u32 $0x80, v0;
	s4 =	sadd.s32 s4, s9;
	s6 =	smax.u32 s6, $0x1;
	s9 =	simm.s32 $0x200  }
.LBB2_1:
0xc: {  	[tilespmem:s2], [sflag:$0x2] =	stream.linear.gather [hbm4b:s4+s2], $0x200, $0x38;
	[tilespmem:$0x14200] =	vst v63  }
0xd: {  	_ =	swait.ge [sflag:s7], $0x200  }
0xe: {  	[sflag:s7] =	ssyncset.done $0x0  }
0xf: {  	[sflag:s7] =	ssyncadd.s32 $0xFFFFFE00  }
0x10: {  	v1 =	vld [tilespmem:s2+$0x0];
	_ =	sdelay $0x4  }
0x11: {  	v1 =	vshll.u32 v1, $0x4  }
0x12: {  	(v2sf) =	vpush v1, $0x0  }
0x13: {  	(v2sf) =	vpush v1, $0x1  }
0x14: {  	(v2sf) =	vpush v1, $0x2;
	_ =	sdelay $0x1  }
0x15: {  	(v2sf) =	vpush v1, $0x4;
	_ =	sdelay $0x1  }
0x16: {  	(v2sf) =	vpush v1, $0x3  }
0x17: {  	(v2sf) =	vpush v1, $0x5  }
0x18: {  	s14 =	simm.s32 $0x2000;
	s15 =	simm.s32 $0x0;
	s16 =	simm.s32 $0x0;
	(v2sf) =	vpush v1, $0x6  }
.LBB2_2:
0x19: {  	p0 =	sne.s32 s14, $0x3E000  }
0x1a: {  	s26 =	sadd.s32 $0x280, s15;
	s20 =	sadd.s32 $0x780, s15;
	s17 =	smov.u32 s14  }
0x1b: {  	s14 =	sadd.s32 $0x2000, s14;
	s23 =	sadd.s32 $0x580, s15;
	s18 =	sadd.s32 $0x800, s15;
	(v2sf) =	vpush v1, $0x7  }
0x1c: {  	s25 =	sadd.s32 $0x480, s15;
	s22 =	sadd.s32 $0x600, s15;
	s19 =	sadd.s32 $0x880, s15  }
0x1d: {  	s28 =	sadd.s32 $0x200, s15;
	s29 =	sadd.s32 $0x400, s15;
	(v2sf) =	vpush v1, $0x8  }
0x1e: {  	s30 =	sadd.s32 $0x500, s15;
	s16 =	sadd.s32 $0x10, s16  }
0x1f: {  	s31 =	sadd.s32 $0x300, s15;
	s21 =	sadd.s32 $0x700, s15;
	s24 =	spop (v2sf);
	(v2sf) =	vpush v1, $0x9  }
0x20: {  	s0 =	sand.u32 $0x1FFFFFF0, s24;
	s24 =	sadd.s32 $0x680, s15;
	s1 =	spop (v2sf)  }
0x21: {  	s0 =	sadd.s32 s3, s0;
	s1 =	sand.u32 $0x1FFFFFF0, s1;
	s10 =	spop (v2sf);
	(v2sf) =	vpush v1, $0xA  }
0x22: {  	[tilespmem:s28], [sflag:$0x1] =	stream.linear.gather [hbm4b:s0+s2], $0x80, $0x38;
	[tilespmem:$0x14200] =	vst v63  }
0x23: {  	s0 =	sadd.s32 s3, s1;
	s1 =	sadd.s32 $0x380, s15;
	s28 =	spop (v2sf);
	(v2sf) =	vpush v1, $0xB  }
0x24: {  	[tilespmem:s26], [sflag:$0x1] =	stream.linear.gather [hbm4b:s0+s2], $0x80, $0x38;
	[tilespmem:$0x14200] =	vst v63  }
0x25: {  	s0 =	sand.u32 $0x1FFFFFF0, s10;
	s10 =	sand.u32 $0x1FFFFFF0, s28;
	s26 =	spop (v2sf);
	(v2sf) =	vpush v1, $0xC  }
0x26: {  	s0 =	sadd.s32 s3, s0;
	s26 =	sand.u32 $0x1FFFFFF0, s26;
	s28 =	spop (v2sf)  }
0x27: {  	[tilespmem:s31], [sflag:$0x1] =	stream.linear.gather [hbm4b:s0+s2], $0x80, $0x38;
	(v2sf) =	vpush v1, $0xD;
	[tilespmem:$0x14200] =	vst v63  }
0x28: {  	s0 =	sadd.s32 s3, s26;
	s26 =	sand.u32 $0x1FFFFFF0, s28;
	s28 =	spop (v2sf)  }
0x29: {  	[tilespmem:s1], [sflag:$0x1] =	stream.linear.gather [hbm4b:s0+s2], $0x80, $0x38;
	(v2sf) =	vpush v1, $0xE;
	[tilespmem:$0x14200] =	vst v63  }
0x2a: {  	s0 =	sadd.s32 s3, s10;
	s1 =	sand.u32 $0x1FFFFFF0, s28;
	s10 =	spop (v2sf)  }
0x2b: {  	[tilespmem:s29], [sflag:$0x1] =	stream.linear.gather [hbm4b:s0+s2], $0x80, $0x38;
	(v2sf) =	vpush v1, $0xF;
	[tilespmem:$0x14200] =	vst v63  }
0x2c: {  	s0 =	sadd.s32 s3, s26;
	s10 =	sand.u32 $0x1FFFFFF0, s10;
	s26 =	spop (v2sf)  }
0x2d: {  	[tilespmem:s25], [sflag:$0x1] =	stream.linear.gather [hbm4b:s0+s2], $0x80, $0x38;
	[tilespmem:$0x14200] =	vst v63  }
0x2e: {  	s0 =	sadd.s32 s3, s1;
	s1 =	sand.u32 $0x1FFFFFF0, s26;
	s25 =	spop (v2sf)  }
0x2f: {  	[tilespmem:s30], [sflag:$0x1] =	stream.linear.gather [hbm4b:s0+s2], $0x80, $0x38;
	[tilespmem:$0x14200] =	vst v63  }
0x30: {  	s0 =	sadd.s32 s3, s10;
	s10 =	sand.u32 $0x1FFFFFF0, s25;
	s25 =	spop (v2sf)  }
0x31: {  	[tilespmem:s23], [sflag:$0x1] =	stream.linear.gather [hbm4b:s0+s2], $0x80, $0x38;
	[tilespmem:$0x14200] =	vst v63  }
0x32: {  	s0 =	sadd.s32 s3, s1;
	s1 =	sand.u32 $0x1FFFFFF0, s25;
	s23 =	spop (v2sf)  }
0x33: {  	[tilespmem:s22], [sflag:$0x1] =	stream.linear.gather [hbm4b:s0+s2], $0x80, $0x38;
	[tilespmem:$0x14200] =	vst v63  }
0x34: {  	s0 =	sadd.s32 s3, s10;
	s10 =	sand.u32 $0x1FFFFFF0, s23;
	s22 =	spop (v2sf)  }
0x35: {  	[tilespmem:s24], [sflag:$0x1] =	stream.linear.gather [hbm4b:s0+s2], $0x80, $0x38;
	[tilespmem:$0x14200] =	vst v63  }
0x36: {  	s0 =	sadd.s32 s3, s1;
	s1 =	sand.u32 $0x1FFFFFF0, s22;
	s22 =	spop (v2sf)  }
0x37: {  	[tilespmem:s21], [sflag:$0x1] =	stream.linear.gather [hbm4b:s0+s2], $0x80, $0x38;
	[tilespmem:$0x14200] =	vst v63  }
0x38: {  	s0 =	sadd.s32 s3, s10;
	s10 =	sand.u32 $0x1FFFFFF0, s22;
	s21 =	spop (v2sf)  }
0x39: {  	[tilespmem:s20], [sflag:$0x1] =	stream.linear.gather [hbm4b:s0+s2], $0x80, $0x38;
	[tilespmem:$0x14200] =	vst v63  }
0x3a: {  	s0 =	sadd.s32 s3, s1;
	s1 =	sand.u32 $0x1FFFFFF0, s21;
	s20 =	spop (v2sf)  }
0x3b: {  	[tilespmem:s18], [sflag:$0x1] =	stream.linear.gather [hbm4b:s0+s2], $0x80, $0x38;
	[tilespmem:$0x14200] =	vst v63  }
0x3c: {  	s0 =	sadd.s32 s3, s10;
	s10 =	sand.u32 $0x1FFFFFF0, s20  }
0x3d: {  	[tilespmem:s19], [sflag:$0x1] =	stream.linear.gather [hbm4b:s0+s2], $0x80, $0x38;
	[tilespmem:$0x14200] =	vst v63  }
0x3e: {  	s1 =	sadd.s32 s3, s1;
	s0 =	sadd.s32 $0x900, s15  }
0x3f: {  	[tilespmem:s0], [sflag:$0x1] =	stream.linear.gather [hbm4b:s1+s2], $0x80, $0x38;
	[tilespmem:$0x14200] =	vst v63  }
0x40: {  	s0 =	sadd.s32 $0x980, s15;
	s1 =	sadd.s32 s3, s10  }
0x41: {  	[tilespmem:s0], [sflag:$0x1] =	stream.linear.gather [hbm4b:s1+s2], $0x80, $0x38;
	[tilespmem:$0x14200] =	vst v63  }
0x42: {  	v1 =	vld [tilespmem:s16+$0x0];
	_ =	sdelay $0x4  }
0x43: {  	v1 =	vshll.u32 v1, $0x4  }
0x44: {  	(v2sf) =	vpush v1, $0x0  }
0x45: {  	(v2sf) =	vpush v1, $0x1  }
0x46: {  	(v2sf) =	vpush v1, $0x2;
	_ =	sdelay $0x1  }
0x47: {  	(v2sf) =	vpush v1, $0x4  }
.Ltmp0:
0x48: {  	(pc) =	sbr.rel @p0 .LBB2_2-.Ltmp0, $3  }
0x49: {  	(v2sf) =	vpush v1, $0x3  }
0x4a: {  	(v2sf) =	vpush v1, $0x5;
	_ =	sdelay $0x1  }
0x4b: {  	s15 =	sshra.s32 s17, $0x2;
	(v2sf) =	vpush v1, $0x6  }
0x4c: {  	_ =	sdelay $0x2  }
0x4d: {  	s0 =	sadd.s32 $0x280, s15;
	s14 =	sadd.s32 $0x780, s15;
	s1 =	sadd.s32 $0x580, s15;
	(v2sf) =	vpush v1, $0x7  }
0x4e: {  	s10 =	sadd.s32 $0x480, s15;
	s16 =	sadd.s32 $0x600, s15;
	s17 =	sadd.s32 $0x200, s15  }
0x4f: {  	s18 =	sadd.s32 $0x400, s15;
	s19 =	sadd.s32 $0x500, s15;
	(v2sf) =	vpush v1, $0x8;
	s20 =	spop (v2sf)  }
0x50: {  	s21 =	sadd.s32 $0x300, s15;
	s20 =	sand.u32 $0x1FFFFFF0, s20;
	s22 =	spop (v2sf)  }
0x51: {  	(v2sf) =	vpush v1, $0x9;
	s20 =	sadd.s32 s3, s20;
	s22 =	sand.u32 $0x1FFFFFF0, s22;
	s23 =	spop (v2sf)  }
0x52: {  	[tilespmem:s17], [sflag:$0x1] =	stream.linear.gather [hbm4b:s20+s2], $0x80, $0x38;
	[tilespmem:$0x14200] =	vst v63  }
0x53: {  	s24 =	sadd.s32 $0x380, s15;
	(v2sf) =	vpush v1, $0xA;
	s30 =	sadd.s32 s3, s22;
	s31 =	spop (v2sf)  }
0x54: {  	[tilespmem:s0], [sflag:$0x1] =	stream.linear.gather [hbm4b:s30+s2], $0x80, $0x38;
	[tilespmem:$0x14200] =	vst v63  }
0x55: {  	s17 =	sadd.s32 $0x700, s15;
	s25 =	sand.u32 $0x1FFFFFF0, s23;
	(v2sf) =	vpush v1, $0xB;
	s26 =	spop (v2sf)  }
0x56: {  	s22 =	sadd.s32 $0x800, s15;
	s20 =	sadd.s32 s3, s25;
	s23 =	sand.u32 $0x1FFFFFF0, s26  }
0x57: {  	(v2sf) =	vpush v1, $0xC;
	[tilespmem:s21], [sflag:$0x1] =	stream.linear.gather [hbm4b:s20+s2], $0x80, $0x38;
	[tilespmem:$0x14200] =	vst v63  }
0x58: {  	s28 =	sand.u32 $0x1FFFFFF0, s31;
	s29 =	spop (v2sf);
	(v2sf) =	vpush v1, $0xD;
	s30 =	sadd.s32 s3, s23  }
0x59: {  	[tilespmem:s24], [sflag:$0x1] =	stream.linear.gather [hbm4b:s30+s2], $0x80, $0x38;
	[tilespmem:$0x14200] =	vst v63  }
0x5a: {  	s20 =	sadd.s32 s3, s28;
	s21 =	sand.u32 $0x1FFFFFF0, s29;
	s31 =	spop (v2sf)  }
0x5b: {  	[tilespmem:s18], [sflag:$0x1] =	stream.linear.gather [hbm4b:s20+s2], $0x80, $0x38;
	[tilespmem:$0x14200] =	vst v63  }
0x5c: {  	s21 =	sadd.s32 s3, s21;
	(v2sf) =	vpush v1, $0xE;
	s23 =	sand.u32 $0x1FFFFFF0, s31;
	s24 =	spop (v2sf)  }
0x5d: {  	[tilespmem:s10], [sflag:$0x1] =	stream.linear.gather [hbm4b:s21+s2], $0x80, $0x38;
	[tilespmem:$0x14200] =	vst v63  }
0x5e: {  	(v2sf) =	vpush v1, $0xF;
	s25 =	sand.u32 $0x1FFFFFF0, s24;
	s26 =	spop (v2sf);
	s18 =	sadd.s32 s3, s23  }
0x5f: {  	[tilespmem:s19], [sflag:$0x1] =	stream.linear.gather [hbm4b:s18+s2], $0x80, $0x38;
	[tilespmem:$0x14200] =	vst v63  }
0x60: {  	s28 =	sand.u32 $0x1FFFFFF0, s26;
	s10 =	sadd.s32 s3, s25;
	s29 =	spop (v2sf)  }
0x61: {  	[tilespmem:s1], [sflag:$0x1] =	stream.linear.gather [hbm4b:s10+s2], $0x80, $0x38;
	[tilespmem:$0x14200] =	vst v63  }
0x62: {  	s18 =	sadd.s32 s3, s28;
	s30 =	sand.u32 $0x1FFFFFF0, s29;
	s31 =	spop (v2sf)  }
0x63: {  	[tilespmem:s16], [sflag:$0x1] =	stream.linear.gather [hbm4b:s18+s2], $0x80, $0x38;
	[tilespmem:$0x14200] =	vst v63  }
0x64: {  	s0 =	sadd.s32 $0x680, s15;
	s1 =	sadd.s32 s3, s30;
	s18 =	spop (v2sf)  }
0x65: {  	[tilespmem:s0], [sflag:$0x1] =	stream.linear.gather [hbm4b:s1+s2], $0x80, $0x38;
	[tilespmem:$0x14200] =	vst v63  }
0x66: {  	s23 =	sadd.s32 $0x880, s15;
	s10 =	sand.u32 $0x1FFFFFF0, s31;
	s20 =	spop (v2sf)  }
0x67: {  	s10 =	sadd.s32 s3, s10;
	s19 =	sand.u32 $0x1FFFFFF0, s18;
	s21 =	spop (v2sf)  }
0x68: {  	[tilespmem:s17], [sflag:$0x1] =	stream.linear.gather [hbm4b:s10+s2], $0x80, $0x38;
	[tilespmem:$0x14200] =	vst v63  }
0x69: {  	s0 =	sadd.s32 s3, s19;
	s1 =	sand.u32 $0x1FFFFFF0, s20;
	s10 =	sand.u32 $0x1FFFFFF0, s21  }
0x6a: {  	[tilespmem:s14], [sflag:$0x1] =	stream.linear.gather [hbm4b:s0+s2], $0x80, $0x38;
	[tilespmem:$0x14200] =	vst v63  }
0x6b: {  	s1 =	sadd.s32 s3, s1;
	s24 =	spop (v2sf);
	s10 =	sadd.s32 s3, s10  }
0x6c: {  	[tilespmem:s22], [sflag:$0x1] =	stream.linear.gather [hbm4b:s1+s2], $0x80, $0x38;
	[tilespmem:$0x14200] =	vst v63  }
0x6d: {  	s25 =	sand.u32 $0x1FFFFFF0, s24;
	s26 =	spop (v2sf);
	s14 =	simm.s32 $0x0  }
0x6e: {  	[tilespmem:s23], [sflag:$0x1] =	stream.linear.gather [hbm4b:s10+s2], $0x80, $0x38;
	[tilespmem:$0x14200] =	vst v63  }
0x6f: {  	s28 =	sadd.s32 $0x900, s15;
	s0 =	sadd.s32 s3, s25;
	v1 =	vmov s14;
	s1 =	sand.u32 $0x1FFFFFF0, s26  }
0x70: {  	v1 =	vshll.u32 v1, $0x7;
	[tilespmem:s28], [sflag:$0x1] =	stream.linear.gather [hbm4b:s0+s2], $0x80, $0x38;
	[tilespmem:$0x14200] =	vst v63  }
0x71: {  	s29 =	sadd.s32 $0x980, s15;
	s1 =	sadd.s32 s3, s1;
	v28 =	vor.u32 v0, v1  }
0x72: {  	v1 =	vor.u32 $0x1, v28;
	[tilespmem:s29], [sflag:$0x1] =	stream.linear.gather [hbm4b:s1+s2], $0x80, $0x38;
	[tilespmem:$0x14200] =	vst v63  }
0x73: {  	_ =	swait.ge [sflag:s8], $0x10000  }
0x74: {  	v2 =	vor.u32 $0x2, v28;
	[sflag:s8] =	ssyncset.done $0x0  }
0x75: {  	[sflag:s8] =	ssyncadd.s32 $0xFFFF0000  }
0x76: {  	v3 =	vor.u32 $0x3, v28;
	v24 =	vld.idx.msk [tilespmem:v28+s9+$0x0], $0xffff  }
0x77: {  	v19 =	vld.idx.msk [tilespmem:v1+s9+$0x0], $0xffff  }
0x78: {  	v1 =	vor.u32 $0x4, v28  }
0x79: {  	v22 =	vld.idx.msk [tilespmem:v2+s9+$0x0], $0xffff  }
0x7a: {  	v2 =	vor.u32 $0x5, v28  }
0x7b: {  	v21 =	vld.idx.msk [tilespmem:v3+s9+$0x0], $0xffff  }
0x7c: {  	v3 =	vor.u32 $0x6, v28;
	v4 =	vmul.f32 v24, v24;
	v5 =	vmul.f32 v19, v19  }
0x7d: {  	v26 =	vld.idx.msk [tilespmem:v1+s9+$0x0], $0xffff  }
0x7e: {  	v1 =	vor.u32 $0x7, v28;
	v4 =	vadd.f32 v5, v4;
	v5 =	vmul.f32 v22, v22  }
0x7f: {  	v25 =	vld.idx.msk [tilespmem:v2+s9+$0x0], $0xffff  }
0x80: {  	v2 =	vor.u32 $0x8, v28;
	v4 =	vadd.f32 v5, v4;
	v5 =	vmul.f32 v21, v21  }
0x81: {  	v32 =	vld.idx.msk [tilespmem:v3+s9+$0x0], $0xffff  }
0x82: {  	v3 =	vor.u32 $0x9, v28;
	v6 =	vmul.f32 v26, v26;
	v4 =	vadd.f32 v5, v4  }
0x83: {  	v5 =	vld.idx.msk [tilespmem:v1+s9+$0x0], $0xffff  }
0x84: {  	v1 =	vor.u32 $0xA, v28;
	v4 =	vadd.f32 v6, v4;
	v6 =	vmul.f32 v25, v25  }
0x85: {  	v7 =	vld.idx.msk [tilespmem:v2+s9+$0x0], $0xffff  }
0x86: {  	v2 =	vor.u32 $0xB, v28;
	v4 =	vadd.f32 v6, v4;
	v6 =	vmul.f32 v32, v32  }
0x87: {  	v3 =	vld.idx.msk [tilespmem:v3+s9+$0x0], $0xffff  }
0x88: {  	v8 =	vor.u32 $0xC, v28;
	v4 =	vadd.f32 v6, v4;
	v6 =	vmul.f32 v5, v5  }
0x89: {  	v9 =	vld.idx.msk [tilespmem:v1+s9+$0x0], $0xffff  }
0x8a: {  	v10 =	vmul.f32 v7, v7;
	v1 =	vor.u32 $0xD, v28;
	v4 =	vadd.f32 v6, v4  }
0x8b: {  	v6 =	vld.idx.msk [tilespmem:v2+s9+$0x0], $0xffff  }
0x8c: {  	v2 =	vor.u32 $0xE, v28;
	v4 =	vadd.f32 v10, v4;
	v10 =	vmul.f32 v3, v3  }
0x8d: {  	v8 =	vld.idx.msk [tilespmem:v8+s9+$0x0], $0xffff  }
0x8e: {  	v12 =	vor.u32 $0xF, v28;
	v4 =	vadd.f32 v10, v4;
	v10 =	vmul.f32 v9, v9  }
0x8f: {  	v11 =	vld.idx.msk [tilespmem:v1+s9+$0x0], $0xffff  }
0x90: {  	v13 =	vor.u32 $0x10, v28;
	v1 =	vadd.f32 v10, v4;
	v4 =	vmul.f32 v6, v6  }
0x91: {  	v34 =	vld.idx.msk [tilespmem:v2+s9+$0x0], $0xffff  }
0x92: {  	v10 =	vor.u32 $0x11, v28;
	v2 =	vadd.f32 v4, v1;
	v4 =	vmul.f32 v8, v8  }
0x93: {  	v1 =	vld.idx.msk [tilespmem:v12+s9+$0x0], $0xffff  }
0x94: {  	v14 =	vmul.f32 v11, v11;
	v12 =	vor.u32 $0x12, v28;
	v4 =	vadd.f32 v4, v2  }
0x95: {  	v2 =	vld.idx.msk [tilespmem:v13+s9+$0x0], $0xffff  }
0x96: {  	v13 =	vor.u32 $0x13, v28;
	v15 =	vmul.f32 v34, v34;
	v14 =	vadd.f32 v14, v4  }
0x97: {  	v4 =	vld.idx.msk [tilespmem:v10+s9+$0x0], $0xffff  }
0x98: {  	v16 =	vor.u32 $0x14, v28;
	v14 =	vadd.f32 v15, v14;
	v15 =	vmul.f32 v1, v1  }
0x99: {  	v10 =	vld.idx.msk [tilespmem:v12+s9+$0x0], $0xffff  }
0x9a: {  	v17 =	vor.u32 $0x15, v28;
	v14 =	vadd.f32 v15, v14;
	v15 =	vmul.f32 v2, v2  }
0x9b: {  	v12 =	vld.idx.msk [tilespmem:v13+s9+$0x0], $0xffff  }
0x9c: {  	v18 =	vor.u32 $0x16, v28;
	v14 =	vadd.f32 v15, v14;
	v15 =	vmul.f32 v4, v4  }
0x9d: {  	v13 =	vld.idx.msk [tilespmem:v16+s9+$0x0], $0xffff  }
0x9e: {  	v16 =	vor.u32 $0x17, v28;
	v20 =	vmul.f32 v10, v10;
	v15 =	vadd.f32 v15, v14  }
0x9f: {  	v14 =	vld.idx.msk [tilespmem:v17+s9+$0x0], $0xffff  }
0xa0: {  	v17 =	vor.u32 $0x18, v28;
	v23 =	vmul.f32 v12, v12;
	v20 =	vadd.f32 v20, v15  }
0xa1: {  	v15 =	vld.idx.msk [tilespmem:v18+s9+$0x0], $0xffff  }
0xa2: {  	v18 =	vor.u32 $0x19, v28;
	v20 =	vadd.f32 v23, v20;
	v23 =	vmul.f32 v13, v13  }
0xa3: {  	v16 =	vld.idx.msk [tilespmem:v16+s9+$0x0], $0xffff  }
0xa4: {  	v27 =	vor.u32 $0x1A, v28;
	v20 =	vadd.f32 v23, v20;
	v23 =	vmul.f32 v14, v14  }
0xa5: {  	v17 =	vld.idx.msk [tilespmem:v17+s9+$0x0], $0xffff  }
0xa6: {  	v29 =	vor.u32 $0x1B, v28;
	v20 =	vadd.f32 v23, v20;
	v23 =	vmul.f32 v15, v15  }
0xa7: {  	v18 =	vld.idx.msk [tilespmem:v18+s9+$0x0], $0xffff  }
0xa8: {  	v30 =	vor.u32 $0x1C, v28;
	v31 =	vmul.f32 v16, v16;
	v23 =	vadd.f32 v23, v20  }
0xa9: {  	v20 =	vld.idx.msk [tilespmem:v27+s9+$0x0], $0xffff  }
0xaa: {  	v33 =	vor.u32 $0x1D, v28;
	v27 =	vadd.f32 v31, v23;
	v31 =	vmul.f32 v17, v17  }
0xab: {  	v23 =	vld.idx.msk [tilespmem:v29+s9+$0x0], $0xffff  }
0xac: {  	v35 =	vor.u32 $0x1E, v28;
	v29 =	vadd.f32 v31, v27;
	v31 =	vmul.f32 v18, v18  }
0xad: {  	v27 =	vld.idx.msk [tilespmem:v30+s9+$0x0], $0xffff  }
0xae: {  	v28 =	vor.u32 $0x1F, v28;
	v30 =	vadd.f32 v31, v29;
	v31 =	vmul.f32 v20, v20  }
0xaf: {  	v29 =	vld.idx.msk [tilespmem:v33+s9+$0x0], $0xffff  }
0xb0: {  	v61 =	vmul.f32 v23, v23;
	v31 =	vadd.f32 v31, v30  }
0xb1: {  	v30 =	vld.idx.msk [tilespmem:v35+s9+$0x0], $0xffff  }
0xb2: {  	v62 =	vmul.f32 v27, v27;
	v31 =	vadd.f32 v61, v31  }
0xb3: {  	v33 =	vld.idx.msk [tilespmem:v28+s9+$0x0], $0xffff  }
0xb4: {  	v28 =	vadd.f32 v62, v31;
	v31 =	vmul.f32 v29, v29;
	_ =	sdelay $0x1  }
0xb5: {  	v28 =	vadd.f32 v31, v28;
	v31 =	vmul.f32 v30, v30;
	_ =	sdelay $0x1  }
0xb6: {  	v28 =	vadd.f32 v31, v28;
	v31 =	vmul.f32 v33, v33;
	_ =	sdelay $0x1  }
0xb7: {  	v28 =	vadd.f32 v31, v28;
	_ =	sdelay $0x1  }
0xb8: {  	v28 =	vmax.f32 v28, $1.000000020e-24  }
0xb9: {  	v31 =	vshrl.u32 v28, $0x1;
	v28 =	vmul.f32 $5.000000000e-01, v28  }
0xba: {  	v31 =	vsub.s32 $0x5F3759DF, v31  }
0xbb: {  	v63 =	vmul.f32 v31, v28;
	_ =	sdelay $0x1  }
0xbc: {  	v35 =	vmul.f32 v31, v63;
	_ =	sdelay $0x1  }
0xbd: {  	v35 =	vsub.f32 $1.500000000e+00, v35;
	_ =	sdelay $0x1  }
0xbe: {  	v31 =	vmul.f32 v31, v35;
	_ =	sdelay $0x1  }
0xbf: {  	v35 =	vmul.f32 v31, v28;
	_ =	sdelay $0x1  }
0xc0: {  	v35 =	vmul.f32 v35, v31;
	_ =	sdelay $0x1  }
0xc1: {  	v35 =	vsub.f32 $1.500000000e+00, v35;
	_ =	sdelay $0x1  }
0xc2: {  	v31 =	vmul.f32 v35, v31;
	_ =	sdelay $0x1  }
0xc3: {  	v28 =	vmul.f32 v31, v28;
	_ =	sdelay $0x1  }
0xc4: {  	v28 =	vmul.f32 v28, v31;
	_ =	sdelay $0x1  }
0xc5: {  	v28 =	vsub.f32 $1.500000000e+00, v28;
	_ =	sdelay $0x1  }
0xc6: {  	v31 =	vmul.f32 v28, v31;
	_ =	sdelay $0x1  }
0xc7: {  	s30 =	sand.u32 $0x70, s14;
	s31 =	sand.u32 $0xC00, s14;
	v24 =	vmul.f32 v31, v24;
	v32 =	vmul.f32 v31, v32  }
0xc8: {  	s18 =	sor.u32 s30, s31;
	v28 =	vmul.f32 v31, v22;
	v22 =	vmul.f32 v31, v26  }
0xc9: {  	v26 =	vmul.f32 v31, v19;
	v19 =	vmul.f32 v31, v34;
	[tilespmem:s18+$0x10200] =	vst v24  }
0xca: {  	s16 =	simm.s32 $0x10;
	s15 =	sor.u32 s14, s14;
	v24 =	vmul.f32 v31, v21;
	v21 =	vmul.f32 v31, v25;
	[tilespmem:s18+$0x10500] =	vst v32  }
.LBB2_4:
0xcb: {  	p0 =	sne.s32 s16, $0x1F0  }
0xcc: {  	[tilespmem:s18+$0x10300] =	vst v28;
	v6 =	vmul.f32 v31, v6;
	v11 =	vmul.f32 v31, v11;
	s14 =	sadd.s32 $0x80, s14;
	s17 =	smov.u32 s16;
	s16 =	sadd.s32 $0x10, s16  }
0xcd: {  	v8 =	vmul.f32 v31, v8;
	s0 =	sor.u32 s14, s17;
	[tilespmem:s18+$0x10380] =	vst v24  }
0xce: {  	[tilespmem:s18+$0x10400] =	vst v22  }
0xcf: {  	v5 =	vmul.f32 v31, v5;
	[tilespmem:s18+$0x10280] =	vst v26  }
0xd0: {  	s1 =	sor.u32 $0x380, s15;
	v7 =	vmul.f32 v31, v7;
	s15 =	smov.u32 s0;
	[tilespmem:s18+$0x10480] =	vst v21  }
0xd1: {  	[tilespmem:s1+$0x10200] =	vst v5;
	v5 =	vmul.f32 v31, v33  }
0xd2: {  	[tilespmem:s18+$0x11200] =	vst v7;
	v7 =	vmul.f32 v31, v9  }
0xd3: {  	v9 =	vmul.f32 v31, v30;
	[tilespmem:s18+$0x13580] =	vst v5  }
0xd4: {  	v3 =	vmul.f32 v31, v3;
	[tilespmem:s18+$0x11300] =	vst v7  }
0xd5: {  	v5 =	vmul.f32 v31, v29;
	[tilespmem:s18+$0x13500] =	vst v9  }
0xd6: {  	[tilespmem:s18+$0x11280] =	vst v3;
	v3 =	vmul.f32 v31, v27  }
0xd7: {  	v7 =	vmul.f32 v31, v23;
	[tilespmem:s18+$0x13480] =	vst v5  }
0xd8: {  	v5 =	vmul.f32 v31, v20;
	[tilespmem:s18+$0x13400] =	vst v3  }
0xd9: {  	v3 =	vmul.f32 v31, v18;
	[tilespmem:s18+$0x13380] =	vst v7  }
0xda: {  	v7 =	vmul.f32 v31, v17;
	[tilespmem:s18+$0x13300] =	vst v5  }
0xdb: {  	v5 =	vmul.f32 v31, v16;
	[tilespmem:s18+$0x13280] =	vst v3  }
0xdc: {  	v3 =	vmul.f32 v31, v15;
	[tilespmem:s18+$0x13200] =	vst v7  }
0xdd: {  	v7 =	vmul.f32 v31, v14;
	[tilespmem:s18+$0x12580] =	vst v5  }
0xde: {  	v5 =	vmul.f32 v31, v13;
	[tilespmem:s18+$0x12500] =	vst v3  }
0xdf: {  	v3 =	vmul.f32 v31, v12;
	[tilespmem:s18+$0x12480] =	vst v7  }
0xe0: {  	v7 =	vmul.f32 v31, v10;
	[tilespmem:s18+$0x12400] =	vst v5  }
0xe1: {  	v4 =	vmul.f32 v31, v4;
	[tilespmem:s18+$0x12380] =	vst v3  }
0xe2: {  	v2 =	vmul.f32 v31, v2;
	[tilespmem:s18+$0x12300] =	vst v7  }
0xe3: {  	v1 =	vmul.f32 v31, v1;
	v3 =	vmov s17;
	[tilespmem:s18+$0x12280] =	vst v4  }
0xe4: {  	v3 =	vshll.u32 v3, $0x7;
	[tilespmem:s18+$0x12200] =	vst v2  }
0xe5: {  	v2 =	vor.u32 v0, v3;
	[tilespmem:s18+$0x11580] =	vst v1  }
0xe6: {  	v1 =	vor.u32 $0x1, v2;
	v3 =	vor.u32 $0x2, v2;
	v4 =	vor.u32 $0x3, v2;
	[tilespmem:s18+$0x11500] =	vst v19  }
0xe7: {  	v5 =	vor.u32 $0x4, v2;
	v7 =	vor.u32 $0x5, v2;
	v9 =	vor.u32 $0x6, v2;
	[tilespmem:s18+$0x11480] =	vst v11  }
0xe8: {  	v10 =	vor.u32 $0x7, v2;
	v12 =	vor.u32 $0x9, v2;
	v11 =	vor.u32 $0x8, v2;
	[tilespmem:s18+$0x11400] =	vst v8  }
0xe9: {  	v13 =	vor.u32 $0xB, v2;
	v14 =	vor.u32 $0xC, v2;
	v8 =	vor.u32 $0xA, v2;
	[tilespmem:s18+$0x11380] =	vst v6  }
0xea: {  	v15 =	vor.u32 $0xD, v2;
	v16 =	vor.u32 $0xE, v2;
	v17 =	vor.u32 $0xF, v2;
	v21 =	vld.idx.msk [tilespmem:v2+s9+$0x0], $0xffff  }
0xeb: {  	v18 =	vor.u32 $0x10, v2;
	v20 =	vor.u32 $0x11, v2;
	v23 =	vor.u32 $0x12, v2;
	v19 =	vld.idx.msk [tilespmem:v1+s9+$0x0], $0xffff  }
0xec: {  	v27 =	vor.u32 $0x13, v2;
	v33 =	vor.u32 $0x14, v2;
	v34 =	vor.u32 $0x15, v2  }
0xed: {  	v35 =	vor.u32 $0x16, v2;
	v36 =	vor.u32 $0x17, v2;
	v37 =	vor.u32 $0x18, v2;
	v22 =	vld.idx.msk [tilespmem:v3+s9+$0x0], $0xffff  }
0xee: {  	v38 =	vor.u32 $0x19, v2;
	v39 =	vor.u32 $0x1A, v2;
	v40 =	vor.u32 $0x1B, v2  }
0xef: {  	v41 =	vor.u32 $0x1C, v2;
	v29 =	vor.u32 $0x1D, v2;
	v30 =	vor.u32 $0x1E, v2;
	v24 =	vld.idx.msk [tilespmem:v4+s9+$0x0], $0xffff  }
0xf0: {  	v31 =	vor.u32 $0x1F, v2  }
0xf1: {  	v1 =	vmul.f32 v21, v21;
	v2 =	vmul.f32 v19, v19;
	v26 =	vld.idx.msk [tilespmem:v5+s9+$0x0], $0xffff;
	_ =	sdelay $0x1  }
0xf2: {  	v1 =	vadd.f32 v2, v1;
	v2 =	vmul.f32 v22, v22;
	v25 =	vld.idx.msk [tilespmem:v7+s9+$0x0], $0xffff;
	_ =	sdelay $0x1  }
0xf3: {  	v1 =	vadd.f32 v2, v1;
	v2 =	vmul.f32 v24, v24;
	v28 =	vld.idx.msk [tilespmem:v9+s9+$0x0], $0xffff;
	_ =	sdelay $0x1  }
0xf4: {  	v1 =	vadd.f32 v2, v1;
	v2 =	vmul.f32 v26, v26;
	v5 =	vld.idx.msk [tilespmem:v10+s9+$0x0], $0xffff;
	_ =	sdelay $0x1  }
0xf5: {  	v1 =	vadd.f32 v2, v1;
	v2 =	vmul.f32 v25, v25;
	v7 =	vld.idx.msk [tilespmem:v11+s9+$0x0], $0xffff;
	_ =	sdelay $0x1  }
0xf6: {  	v1 =	vadd.f32 v2, v1;
	v2 =	vmul.f32 v28, v28;
	v3 =	vld.idx.msk [tilespmem:v12+s9+$0x0], $0xffff;
	_ =	sdelay $0x1  }
0xf7: {  	v1 =	vadd.f32 v2, v1;
	v2 =	vmul.f32 v5, v5;
	v9 =	vld.idx.msk [tilespmem:v8+s9+$0x0], $0xffff;
	_ =	sdelay $0x1  }
0xf8: {  	v1 =	vadd.f32 v2, v1;
	v2 =	vmul.f32 v7, v7;
	v6 =	vld.idx.msk [tilespmem:v13+s9+$0x0], $0xffff;
	_ =	sdelay $0x1  }
0xf9: {  	v1 =	vadd.f32 v2, v1;
	v2 =	vmul.f32 v3, v3;
	v8 =	vld.idx.msk [tilespmem:v14+s9+$0x0], $0xffff;
	_ =	sdelay $0x1  }
0xfa: {  	v1 =	vadd.f32 v2, v1;
	v2 =	vmul.f32 v9, v9;
	v11 =	vld.idx.msk [tilespmem:v15+s9+$0x0], $0xffff;
	_ =	sdelay $0x1  }
0xfb: {  	v2 =	vadd.f32 v2, v1;
	v4 =	vmul.f32 v6, v6;
	v32 =	vld.idx.msk [tilespmem:v16+s9+$0x0], $0xffff;
	_ =	sdelay $0x1  }
0xfc: {  	v4 =	vadd.f32 v4, v2;
	v10 =	vmul.f32 v8, v8;
	v1 =	vld.idx.msk [tilespmem:v17+s9+$0x0], $0xffff;
	_ =	sdelay $0x1  }
0xfd: {  	v10 =	vadd.f32 v10, v4;
	v12 =	vmul.f32 v11, v11;
	v2 =	vld.idx.msk [tilespmem:v18+s9+$0x0], $0xffff;
	_ =	sdelay $0x1  }
0xfe: {  	v12 =	vadd.f32 v12, v10;
	v13 =	vmul.f32 v32, v32;
	v4 =	vld.idx.msk [tilespmem:v20+s9+$0x0], $0xffff;
	_ =	sdelay $0x1  }
0xff: {  	v13 =	vadd.f32 v13, v12;
	v14 =	vmul.f32 v1, v1;
	v10 =	vld.idx.msk [tilespmem:v23+s9+$0x0], $0xffff;
	_ =	sdelay $0x1  }
0x100: {  	v14 =	vadd.f32 v14, v13;
	v15 =	vmul.f32 v2, v2;
	v12 =	vld.idx.msk [tilespmem:v27+s9+$0x0], $0xffff;
	_ =	sdelay $0x1  }
0x101: {  	v15 =	vadd.f32 v15, v14;
	v16 =	vmul.f32 v4, v4;
	v13 =	vld.idx.msk [tilespmem:v33+s9+$0x0], $0xffff;
	_ =	sdelay $0x1  }
0x102: {  	v16 =	vadd.f32 v16, v15;
	v17 =	vmul.f32 v10, v10;
	v14 =	vld.idx.msk [tilespmem:v34+s9+$0x0], $0xffff;
	_ =	sdelay $0x1  }
0x103: {  	v17 =	vadd.f32 v17, v16;
	v18 =	vmul.f32 v12, v12;
	v15 =	vld.idx.msk [tilespmem:v35+s9+$0x0], $0xffff;
	_ =	sdelay $0x1  }
0x104: {  	v18 =	vadd.f32 v18, v17;
	v20 =	vmul.f32 v13, v13;
	v16 =	vld.idx.msk [tilespmem:v36+s9+$0x0], $0xffff;
	_ =	sdelay $0x1  }
0x105: {  	v20 =	vadd.f32 v20, v18;
	v23 =	vmul.f32 v14, v14;
	v17 =	vld.idx.msk [tilespmem:v37+s9+$0x0], $0xffff;
	_ =	sdelay $0x1  }
0x106: {  	v23 =	vadd.f32 v23, v20;
	v27 =	vmul.f32 v15, v15;
	v18 =	vld.idx.msk [tilespmem:v38+s9+$0x0], $0xffff;
	_ =	sdelay $0x1  }
0x107: {  	v27 =	vadd.f32 v27, v23;
	v33 =	vmul.f32 v16, v16;
	v20 =	vld.idx.msk [tilespmem:v39+s9+$0x0], $0xffff;
	_ =	sdelay $0x1  }
0x108: {  	v33 =	vadd.f32 v33, v27;
	v34 =	vmul.f32 v17, v17;
	v23 =	vld.idx.msk [tilespmem:v40+s9+$0x0], $0xffff;
	_ =	sdelay $0x1  }
0x109: {  	v33 =	vadd.f32 v34, v33;
	v34 =	vmul.f32 v18, v18;
	v27 =	vld.idx.msk [tilespmem:v41+s9+$0x0], $0xffff;
	_ =	sdelay $0x1  }
0x10a: {  	v33 =	vadd.f32 v34, v33;
	v34 =	vmul.f32 v20, v20;
	v29 =	vld.idx.msk [tilespmem:v29+s9+$0x0], $0xffff;
	_ =	sdelay $0x1  }
0x10b: {  	v34 =	vadd.f32 v34, v33;
	v35 =	vmul.f32 v23, v23;
	v30 =	vld.idx.msk [tilespmem:v30+s9+$0x0], $0xffff;
	_ =	sdelay $0x1  }
0x10c: {  	v33 =	vld.idx.msk [tilespmem:v31+s9+$0x0], $0xffff;
	v31 =	vadd.f32 v35, v34;
	v34 =	vmul.f32 v27, v27;
	_ =	sdelay $0x1  }
0x10d: {  	v31 =	vadd.f32 v34, v31;
	v34 =	vmul.f32 v29, v29;
	_ =	sdelay $0x1  }
0x10e: {  	v31 =	vadd.f32 v34, v31;
	v34 =	vmul.f32 v30, v30;
	_ =	sdelay $0x1  }
0x10f: {  	v31 =	vadd.f32 v34, v31;
	v34 =	vmul.f32 v33, v33;
	_ =	sdelay $0x1  }
0x110: {  	v31 =	vadd.f32 v34, v31;
	_ =	sdelay $0x1  }
0x111: {  	v31 =	vmax.f32 v31, $1.000000020e-24  }
0x112: {  	v34 =	vshrl.u32 v31, $0x1;
	v31 =	vmul.f32 $5.000000000e-01, v31  }
0x113: {  	v34 =	vsub.s32 $0x5F3759DF, v34  }
0x114: {  	v35 =	vmul.f32 v34, v31;
	_ =	sdelay $0x1  }
0x115: {  	v35 =	vmul.f32 v34, v35;
	_ =	sdelay $0x1  }
0x116: {  	v35 =	vsub.f32 $1.500000000e+00, v35;
	_ =	sdelay $0x1  }
0x117: {  	v34 =	vmul.f32 v34, v35;
	_ =	sdelay $0x1  }
0x118: {  	v35 =	vmul.f32 v34, v31;
	_ =	sdelay $0x1  }
0x119: {  	v35 =	vmul.f32 v35, v34;
	_ =	sdelay $0x1  }
0x11a: {  	v35 =	vsub.f32 $1.500000000e+00, v35;
	_ =	sdelay $0x1  }
0x11b: {  	v34 =	vmul.f32 v35, v34;
	_ =	sdelay $0x1  }
0x11c: {  	v31 =	vmul.f32 v34, v31;
	_ =	sdelay $0x1  }
0x11d: {  	v31 =	vmul.f32 v31, v34;
	_ =	sdelay $0x1  }
0x11e: {  	v31 =	vsub.f32 $1.500000000e+00, v31;
	_ =	sdelay $0x1  }
0x11f: {  	v31 =	vmul.f32 v31, v34  }
.Ltmp1:
0x120: {  	(pc) =	sbr.rel @p0 .LBB2_4-.Ltmp1, $4  }
0x121: {  	s0 =	sand.u32 $0x70, s17;
	s1 =	sand.u32 $0xC00, s14;
	v21 =	vmul.f32 v31, v21;
	v34 =	vmul.f32 v31, v28  }
0x122: {  	s18 =	sor.u32 s0, s1;
	v28 =	vmul.f32 v31, v22;
	v22 =	vmul.f32 v31, v26  }
0x123: {  	v26 =	vmul.f32 v31, v19;
	v24 =	vmul.f32 v31, v24;
	[tilespmem:s18+$0x10200] =	vst v21  }
0x124: {  	v19 =	vmul.f32 v31, v32;
	v21 =	vmul.f32 v31, v25;
	[tilespmem:s18+$0x10500] =	vst v34  }
0x125: {  	[tilespmem:s18+$0x10300] =	vst v28  }
0x126: {  	[tilespmem:s18+$0x10380] =	vst v24  }
0x127: {  	[tilespmem:s18+$0x10400] =	vst v22  }
0x128: {  	[tilespmem:s18+$0x10280] =	vst v26;
	v5 =	vmul.f32 v31, v5  }
0x129: {  	s0 =	sor.u32 $0x380, s15;
	v7 =	vmul.f32 v31, v7;
	[tilespmem:s18+$0x10480] =	vst v21  }
0x12a: {  	v53 =	vmul.f32 v31, v33;
	[tilespmem:s0+$0x10200] =	vst v5  }
0x12b: {  	v54 =	vmul.f32 v31, v9;
	[tilespmem:s18+$0x11200] =	vst v7  }
0x12c: {  	v55 =	vmul.f32 v31, v30;
	[tilespmem:s18+$0x13580] =	vst v53  }
0x12d: {  	v3 =	vmul.f32 v31, v3;
	[tilespmem:s18+$0x11300] =	vst v54  }
0x12e: {  	v56 =	vmul.f32 v31, v29;
	[tilespmem:s18+$0x13500] =	vst v55  }
0x12f: {  	v57 =	vmul.f32 v31, v23;
	[tilespmem:s18+$0x11280] =	vst v3  }
0x130: {  	v58 =	vmul.f32 v31, v20;
	[tilespmem:s18+$0x13480] =	vst v56  }
0x131: {  	v59 =	vmul.f32 v31, v17;
	[tilespmem:s18+$0x13380] =	vst v57  }
0x132: {  	v60 =	vmul.f32 v31, v16;
	[tilespmem:s18+$0x13300] =	vst v58  }
0x133: {  	v61 =	vmul.f32 v31, v14;
	[tilespmem:s18+$0x13200] =	vst v59  }
0x134: {  	v62 =	vmul.f32 v31, v13;
	[tilespmem:s18+$0x12580] =	vst v60  }
0x135: {  	v63 =	vmul.f32 v31, v10;
	[tilespmem:s18+$0x12480] =	vst v61  }
0x136: {  	v4 =	vmul.f32 v31, v4;
	[tilespmem:s18+$0x12400] =	vst v62  }
0x137: {  	v2 =	vmul.f32 v31, v2;
	[tilespmem:s18+$0x12300] =	vst v63  }
0x138: {  	v3 =	vmul.f32 v31, v27;
	[tilespmem:s18+$0x12280] =	vst v4  }
0x139: {  	v1 =	vmul.f32 v31, v1;
	[tilespmem:s18+$0x12200] =	vst v2  }
0x13a: {  	[tilespmem:s18+$0x13400] =	vst v3;
	v3 =	vmul.f32 v31, v18  }
0x13b: {  	[tilespmem:s18+$0x11580] =	vst v1  }
0x13c: {  	[tilespmem:s18+$0x13280] =	vst v3;
	v3 =	vmul.f32 v31, v15  }
0x13d: {  	v2 =	vmul.f32 v31, v11;
	[tilespmem:s18+$0x11500] =	vst v19  }
0x13e: {  	[tilespmem:s18+$0x12500] =	vst v3;
	v3 =	vmul.f32 v31, v12  }
0x13f: {  	v1 =	vmul.f32 v31, v8;
	[tilespmem:s18+$0x11480] =	vst v2  }
0x140: {  	s13 =	sadd.s32 $0x1, s13;
	[tilespmem:s18+$0x12380] =	vst v3;
	v3 =	vmul.f32 v31, v6  }
0x141: {  	p0 =	sne.s32 s13, s6;
	[tilespmem:s18+$0x11400] =	vst v1  }
.Ltmp2:
0x142: {  	s31 =	simm.s32 $0x1000;
	[tilespmem:s18+$0x11380] =	vst v3;
	(pc) =	sbr.rel @p0 .LBB2_1-.Ltmp2, $4  }
0x143: {  	[hbm4b:s5+s31] =	stream.strided.scatter [tilespmem:s12], [sflag:$0x2], $0x4000, s11, s31, $0x38;
	[tilespmem:$0x14200] =	vst v63  }
0x144: {  	_ =	swait.ge [sflag:s7], $0x4000  }
0x145: {  	[sflag:s7] =	ssyncset.done $0x0  }
0x146: {  	[sflag:s7] =	ssyncadd.s32 $0xFFFFC000  }
0x147: {  	_ =	sfence.sel $0x180000  }
0x148: {  	[bflag:$0x0] =	sbarrier.arrive $0xFFFF  }
0x149: {  	_ =	strace $0x90000047  }
0x14a: {  	s0 =	stileid.u32;
	[bflag:$0x2] =	sbarrier.arrive $0xFFFF  }
0x14b: {  	p0 =	sne.s32 s0, $0x0;
	s0 =	rddreg [dreg:$0x3]  }
0x14c: {  	s0 =	sadd.s32 @!p0 $0x100000, s0  }
0x14d: {  	[sflag:s0] =	ssyncadd.tile.s32 @!p0 $0x1;
	_ =	shalt  }
.Lfunc_end2:
_tile_overlayer_lowered:
.L_overlay_start_2:
0x14e: {  	(tag) =	ssettag $0x2  }
0x14f: {  	s0 =	rddreg [dreg:$0x0];
	s2 =	stileid.u32  }
0x150: {  	s1 =	rddreg [dreg:$0x1];
	p0 =	sne.s32 s2, $0x0  }
0x151: {  	s3 =	rddreg [dreg:$0x2];
	[bflag:$0x3] =	sbarrier.arrive $0xFFFF;
	s2 =	simm.s32 @!p0 $0x1C02  }
0x152: {  	[timem:s3], [sflag:s2] =	dma.local @!p0 [hbm:s0], s1  }
0x153: {  	s0 =	simm.s32 @!p0 $0x2  }
0x154: {  	_ =	swait.ge @!p0 [sflag:s0], s1  }
0x155: {  	s1 =	ssub.s32 @!p0 $0x0, s1;
	[sflag:s0] =	ssyncset.done @!p0 $0x0  }
0x156: {  	[sflag:s0] =	ssyncadd.s32 @!p0 s1  }
0x157: {  	[bflag:$0x3] =	sbarrier.arrive $0xFFFF  }
0x158: {  	_ =	shalt  }

</sc_bundles>
